<compile_context>
chip_gen: v7x
topology: tpu7x:2x2x1
jax: 0.10.2.dev20260603
libtpu: 0.0.44.dev20260713+nightly
codegen_flags: <defaults>
</compile_context>

<pallas_src>
import functools

import jax
import jax.numpy as jnp
from jax import lax
from jax.experimental import pallas as pl
from jax.experimental.pallas import tpu as pltpu
from jax.experimental.pallas import tpu_sc as plsc

F = 26
V = 100000
D = 32
B = 16384
FD = F * D

NC = 2
NS = 16
NW = NC * NS
RPW = FD // NW
CHUNK = 2048
NCHUNK = B // CHUNK
NBUF = 4

_MESH = plsc.VectorSubcoreMesh(
    core_axis_name="c", subcore_axis_name="s", num_cores=NC, num_subcores=NS
)


@functools.partial(
    pl.kernel,
    out_type=jax.ShapeDtypeStruct((FD, B), jnp.float32),
    mesh=_MESH,
    scratch_types=[
        pltpu.VMEM((V,), jnp.float32),
        pltpu.VMEM((B,), jnp.int32),
        pltpu.VMEM((NBUF * CHUNK,), jnp.float32),
        pltpu.SemaphoreType.DMA,
    ],
    compiler_params=pltpu.CompilerParams(needs_layout_passes=False),
)
def _sc_lookup(x_hbm, tab_hbm, out_hbm, rowbuf, xrow, outbuf, wsem):
    wid = lax.axis_index("s") * NC + lax.axis_index("c")
    rbase = wid * RPW

    def row_body(j, carry):
        fd = rbase + j
        f = fd // D

        @pl.when(jnp.logical_or(j == 0, fd % D == 0))
        def _load_xrow():
            pltpu.sync_copy(x_hbm.at[f], xrow)

        pltpu.sync_copy(tab_hbm.at[fd], rowbuf)

        for c in range(NCHUNK):
            buf = c % NBUF

            drain = pltpu.make_async_copy(
                outbuf.at[pl.ds(buf * CHUNK, CHUNK)],
                out_hbm.at[fd, pl.ds(c * CHUNK, CHUNK)],
                wsem,
            )
            if c < NBUF:

                @pl.when(j >= 1)
                def _drain():
                    drain.wait()

            else:
                drain.wait()

            @plsc.parallel_loop(0, CHUNK // 16, unroll=16)
            def g_body(l):
                idxv = xrow[pl.ds(c * CHUNK + l * 16, 16)]
                outbuf[pl.ds(buf * CHUNK + l * 16, 16)] = plsc.load_gather(
                    rowbuf, [idxv]
                )

            pltpu.async_copy(
                outbuf.at[pl.ds(buf * CHUNK, CHUNK)],
                out_hbm.at[fd, pl.ds(c * CHUNK, CHUNK)],
                wsem,
            )
        return carry

    lax.fori_loop(0, RPW, row_body, 0)
    for _ in range(NBUF):
        pltpu.make_async_copy(
            outbuf.at[pl.ds(0, CHUNK)],
            out_hbm.at[rbase, pl.ds(0, CHUNK)],
            wsem,
        ).wait()


def kernel(x, tables):
    x_t = jnp.transpose(x.astype(jnp.int32))
    tab_t = jnp.transpose(tables, (0, 2, 1)).reshape(FD, V)
    out_t = _sc_lookup(x_t, tab_t)
    return jnp.transpose(out_t)

# --- scband reference (transcript-rebuilt; emitter-appended) ---
"""Pipeline reference for scband-multi-embedding-13597866459240 (READ-ONLY COPY).

The authoritative reference and input builder live on the scoring server;
editing this copy changes nothing except your own understanding.
"""

import jax, jax.numpy as jnp
import numpy as np

NUM_FIELDS = 26
VOCAB = 100000
EMB_DIM = 32
BATCH = 16384

def setup_inputs(seed: int = 0) -> dict:
    key = jax.random.key(seed)
    k_idx, k_tab = jax.random.split(key)
    x = jax.random.randint(k_idx, (BATCH, NUM_FIELDS), 0, VOCAB, dtype=jnp.int32).astype(jnp.int64)
    # 26 embedding tables, all [VOCAB, EMB_DIM]; stacked into one array for convenience.
    tables = jax.random.normal(k_tab, (NUM_FIELDS, VOCAB, EMB_DIM), dtype=jnp.float32) * 0.01
    return {"x": x, "tables": tables}

def reference(x, tables):
    # For each field i: emb_i = tables[i][x[:, i]]  -> [B, EMB_DIM]
    # Then concat along dim=1 -> [B, NUM_FIELDS * EMB_DIM]
    embs = jax.vmap(lambda t, idx: jnp.take(t, idx, axis=0), in_axes=(0, 1))(tables, x)  # [F, B, D]
    out = jnp.transpose(embs, (1, 0, 2)).reshape(x.shape[0], -1)
    return out

if __name__ == "__main__":
    import jax
    _d = setup_inputs()
    print(jax.jit(kernel)(*tuple(_d.values())))

</pallas_src>

<mosaic_0001>
#map = affine_map<(d0, d1) -> (0, 0)>
module attributes {stable_mosaic.version = 14 : i64} {
  func.func @_sc_lookup(%arg0: i32, %arg1: i32, %arg2: memref<26x16384xi32, #tpu.memory_space<hbm>>, %arg3: memref<832x100000xf32, #tpu.memory_space<hbm>>, %arg4: memref<832x16384xf32, #tpu.memory_space<hbm>>, %arg5: memref<100000xf32, #tpu.memory_space<vmem>>, %arg6: memref<16384xi32, #tpu.memory_space<vmem>>, %arg7: memref<8192xf32, #tpu.memory_space<vmem>>, %arg8: memref<!tpu.dma_semaphore, #tpu.memory_space<semaphore_mem>>) attributes {dimension_semantics = [#tpu.dimension_semantics<core_parallel>, #tpu.dimension_semantics<subcore_parallel>], iteration_bounds = array<i64: 2, 16>, scalar_prefetch = 0 : i64, scratch_operands = 4 : i64, tpu.core_type = #tpu.core_type<sc_vector_subcore>, window_params = [{transform_indices = #map}, {transform_indices = #map}, {transform_indices = #map}]} {
    %mul3A = arith.constant 2 : i32
    %mul3A_0 = arith.muli %arg1, %mul3A : i32
    %add3A = arith.addi %mul3A_0, %arg0 : i32
    %mul3A_1 = arith.constant 26 : i32
    %mul3A_2 = arith.muli %add3A, %mul3A_1 : i32
    %scan3A = arith.constant 0 : i32
    %scan3A_3 = arith.constant 0 : i32
    %scan3A_4 = arith.constant 26 : i32
    %scan3A_5 = arith.addi %scan3A_3, %scan3A_4 : i32
    %scan3A_6 = arith.constant 1 : i32
    scf.for %scan3A_47 = %scan3A_3 to %scan3A_5 step %scan3A_6  : i32 {
      %add3A_48 = arith.addi %mul3A_2, %scan3A_47 : i32
      %jit3A = arith.constant 32 : i32
      %div3A = arith.divsi %add3A_48, %jit3A : i32
      %sign3A = arith.constant 0 : i32
      %sign3A_49 = arith.cmpi sgt, %add3A_48, %sign3A : i32
      %sign3A_50 = arith.extui %sign3A_49 : i1 to i32
      %sign3A_51 = arith.constant 0 : i32
      %sign3A_52 = arith.cmpi slt, %add3A_48, %sign3A_51 : i32
      %sign3A_53 = arith.extui %sign3A_52 : i1 to i32
      %sign3A_54 = arith.subi %sign3A_50, %sign3A_53 : i32
      %sign3A_55 = arith.constant 0 : i32
      %sign3A_56 = arith.cmpi sgt, %jit3A, %sign3A_55 : i32
      %sign3A_57 = arith.extui %sign3A_56 : i1 to i32
      %sign3A_58 = arith.constant 0 : i32
      %sign3A_59 = arith.cmpi slt, %jit3A, %sign3A_58 : i32
      %sign3A_60 = arith.extui %sign3A_59 : i1 to i32
      %sign3A_61 = arith.subi %sign3A_57, %sign3A_60 : i32
      %ne3A = arith.cmpi ne, %sign3A_54, %sign3A_61 : i32
      %rem3A = arith.remsi %add3A_48, %jit3A : i32
      %ne3A_62 = arith.constant 0 : i32
      %ne3A_63 = arith.cmpi ne, %rem3A, %ne3A_62 : i32
      %and3A = arith.andi %ne3A, %ne3A_63 : i1
      %sub3A = arith.constant 1 : i32
      %sub3A_64 = arith.subi %div3A, %sub3A : i32
      %select_n3A = arith.select %and3A, %sub3A_64, %div3A : i32
      %eq3A = arith.constant 0 : i32
      %eq3A_65 = arith.cmpi eq, %scan3A_47, %eq3A : i32
      %jit3A_66 = arith.constant 32 : i32
      %eq3A_67 = arith.constant 0 : i32
      %eq3A_68 = arith.cmpi eq, %jit3A_66, %eq3A_67 : i32
      %jit3A_69 = arith.constant 1 : i32
      %select_n3A_70 = arith.select %eq3A_68, %jit3A_69, %jit3A_66 : i32
      %rem3A_71 = arith.remsi %add3A_48, %select_n3A_70 : i32
      %ne3A_72 = arith.constant 0 : i32
      %ne3A_73 = arith.cmpi ne, %rem3A_71, %ne3A_72 : i32
      %lt3A = arith.constant 0 : i32
      %lt3A_74 = arith.cmpi slt, %rem3A_71, %lt3A : i32
      %lt3A_75 = arith.constant 0 : i32
      %lt3A_76 = arith.cmpi slt, %select_n3A_70, %lt3A_75 : i32
      %ne3A_77 = arith.xori %lt3A_74, %lt3A_76 : i1
      %and3A_78 = arith.andi %ne3A_77, %ne3A_73 : i1
      %add3A_79 = arith.addi %rem3A_71, %select_n3A_70 : i32
      %select_n3A_80 = arith.select %and3A_78, %add3A_79, %rem3A_71 : i32
      %eq3A_81 = arith.constant 0 : i32
      %eq3A_82 = arith.cmpi eq, %select_n3A_80, %eq3A_81 : i32
      %or3A = arith.ori %eq3A_65, %eq3A_82 : i1
      %convert_element_type3A = arith.extui %or3A : i1 to i32
      %cond3A = arith.constant 0 : i32
      %cond3A_83 = arith.cmpi ne, %convert_element_type3A, %cond3A : i32
      scf.if %cond3A_83 {
        "tpu.region"() ({
          %run_scoped3A = tpu.sem_alloc : memref<!tpu.dma_semaphore, #tpu.memory_space<semaphore_mem>>
          %dma_start3A_245 = arith.constant 0 : i32
          %dma_start3A_246 = tpu.memref_slice %arg2[%select_n3A, %dma_start3A_245] : memref<26x16384xi32, #tpu.memory_space<hbm>> -> memref<1x16384xi32, #tpu.memory_space<hbm>>
          %dma_start3A_247 = tpu.memref_squeeze %dma_start3A_246 : memref<1x16384xi32, #tpu.memory_space<hbm>> -> memref<16384xi32, #tpu.memory_space<hbm>>
          %dma_start3A_248 = arith.constant 0 : i32
          %dma_start3A_249 = tpu.memref_slice %arg2[%select_n3A, %dma_start3A_248] : memref<26x16384xi32, #tpu.memory_space<hbm>> -> memref<1x16384xi32, #tpu.memory_space<hbm>>
          %dma_start3A_250 = tpu.memref_squeeze %dma_start3A_249 : memref<1x16384xi32, #tpu.memory_space<hbm>> -> memref<16384xi32, #tpu.memory_space<hbm>>
          tpu.enqueue_dma source(%dma_start3A_250 : memref<16384xi32, #tpu.memory_space<hbm>>) target(%arg6 : memref<16384xi32, #tpu.memory_space<vmem>>) target_semaphore(%run_scoped3A : memref<!tpu.dma_semaphore, #tpu.memory_space<semaphore_mem>>)
          %dma_wait3A_251 = arith.constant 0 : i32
          %dma_wait3A_252 = tpu.memref_slice %arg2[%select_n3A, %dma_wait3A_251] : memref<26x16384xi32, #tpu.memory_space<hbm>> -> memref<1x16384xi32, #tpu.memory_space<hbm>>
          %dma_wait3A_253 = tpu.memref_squeeze %dma_wait3A_252 : memref<1x16384xi32, #tpu.memory_space<hbm>> -> memref<16384xi32, #tpu.memory_space<hbm>>
          %dma_wait3A_254 = arith.constant 0 : i32
          %dma_wait3A_255 = tpu.memref_slice %arg2[%select_n3A, %dma_wait3A_254] : memref<26x16384xi32, #tpu.memory_space<hbm>> -> memref<1x16384xi32, #tpu.memory_space<hbm>>
          %dma_wait3A_256 = tpu.memref_squeeze %dma_wait3A_255 : memref<1x16384xi32, #tpu.memory_space<hbm>> -> memref<16384xi32, #tpu.memory_space<hbm>>
          tpu.wait_dma2 semaphore(%run_scoped3A : memref<!tpu.dma_semaphore, #tpu.memory_space<semaphore_mem>>) src(%dma_wait3A_256 : memref<16384xi32, #tpu.memory_space<hbm>>) dst(%arg6 : memref<16384xi32, #tpu.memory_space<vmem>>)
          tpu.yield
        }) : () -> ()
      } else {
      }
      "tpu.region"() ({
        %run_scoped3A = tpu.sem_alloc : memref<!tpu.dma_semaphore, #tpu.memory_space<semaphore_mem>>
        %dma_start3A_245 = arith.constant 0 : i32
        %dma_start3A_246 = tpu.memref_slice %arg3[%add3A_48, %dma_start3A_245] : memref<832x100000xf32, #tpu.memory_space<hbm>> -> memref<1x100000xf32, #tpu.memory_space<hbm>>
        %dma_start3A_247 = tpu.memref_squeeze %dma_start3A_246 : memref<1x100000xf32, #tpu.memory_space<hbm>> -> memref<100000xf32, #tpu.memory_space<hbm>>
        %dma_start3A_248 = arith.constant 0 : i32
        %dma_start3A_249 = tpu.memref_slice %arg3[%add3A_48, %dma_start3A_248] : memref<832x100000xf32, #tpu.memory_space<hbm>> -> memref<1x100000xf32, #tpu.memory_space<hbm>>
        %dma_start3A_250 = tpu.memref_squeeze %dma_start3A_249 : memref<1x100000xf32, #tpu.memory_space<hbm>> -> memref<100000xf32, #tpu.memory_space<hbm>>
        tpu.enqueue_dma source(%dma_start3A_250 : memref<100000xf32, #tpu.memory_space<hbm>>) target(%arg5 : memref<100000xf32, #tpu.memory_space<vmem>>) target_semaphore(%run_scoped3A : memref<!tpu.dma_semaphore, #tpu.memory_space<semaphore_mem>>)
        %dma_wait3A_251 = arith.constant 0 : i32
        %dma_wait3A_252 = tpu.memref_slice %arg3[%add3A_48, %dma_wait3A_251] : memref<832x100000xf32, #tpu.memory_space<hbm>> -> memref<1x100000xf32, #tpu.memory_space<hbm>>
        %dma_wait3A_253 = tpu.memref_squeeze %dma_wait3A_252 : memref<1x100000xf32, #tpu.memory_space<hbm>> -> memref<100000xf32, #tpu.memory_space<hbm>>
        %dma_wait3A_254 = arith.constant 0 : i32
        %dma_wait3A_255 = tpu.memref_slice %arg3[%add3A_48, %dma_wait3A_254] : memref<832x100000xf32, #tpu.memory_space<hbm>> -> memref<1x100000xf32, #tpu.memory_space<hbm>>
        %dma_wait3A_256 = tpu.memref_squeeze %dma_wait3A_255 : memref<1x100000xf32, #tpu.memory_space<hbm>> -> memref<100000xf32, #tpu.memory_space<hbm>>
        tpu.wait_dma2 semaphore(%run_scoped3A : memref<!tpu.dma_semaphore, #tpu.memory_space<semaphore_mem>>) src(%dma_wait3A_256 : memref<100000xf32, #tpu.memory_space<hbm>>) dst(%arg5 : memref<100000xf32, #tpu.memory_space<vmem>>)
        tpu.yield
      }) : () -> ()
      %ge3A = arith.constant 1 : i32
      %ge3A_84 = arith.cmpi sge, %scan3A_47, %ge3A : i32
      %convert_element_type3A_85 = arith.extui %ge3A_84 : i1 to i32
      %cond3A_86 = arith.constant 0 : i32
      %cond3A_87 = arith.cmpi ne, %convert_element_type3A_85, %cond3A_86 : i32
      scf.if %cond3A_87 {
        %dma_wait3A_245 = arith.constant 0 : i32
        %dma_wait3A_246 = tpu.memref_slice %arg7[%dma_wait3A_245] : memref<8192xf32, #tpu.memory_space<vmem>> -> memref<2048xf32, #tpu.memory_space<vmem>>
        %dma_wait3A_247 = arith.constant 0 : i32
        %dma_wait3A_248 = tpu.memref_slice %arg4[%add3A_48, %dma_wait3A_247] : memref<832x16384xf32, #tpu.memory_space<hbm>> -> memref<1x2048xf32, #tpu.memory_space<hbm>>
        %dma_wait3A_249 = tpu.memref_squeeze %dma_wait3A_248 : memref<1x2048xf32, #tpu.memory_space<hbm>> -> memref<2048xf32, #tpu.memory_space<hbm>>
        %dma_wait3A_250 = arith.constant 0 : i32
        %dma_wait3A_251 = tpu.memref_slice %arg4[%add3A_48, %dma_wait3A_250] : memref<832x16384xf32, #tpu.memory_space<hbm>> -> memref<1x2048xf32, #tpu.memory_space<hbm>>
        %dma_wait3A_252 = tpu.memref_squeeze %dma_wait3A_251 : memref<1x2048xf32, #tpu.memory_space<hbm>> -> memref<2048xf32, #tpu.memory_space<hbm>>
        %dma_wait3A_253 = arith.constant 0 : i32
        %dma_wait3A_254 = tpu.memref_slice %arg7[%dma_wait3A_253] : memref<8192xf32, #tpu.memory_space<vmem>> -> memref<2048xf32, #tpu.memory_space<vmem>>
        tpu.wait_dma2 semaphore(%arg8 : memref<!tpu.dma_semaphore, #tpu.memory_space<semaphore_mem>>) src(%dma_wait3A_254 : memref<2048xf32, #tpu.memory_space<vmem>>) dst(%dma_wait3A_252 : memref<2048xf32, #tpu.memory_space<hbm>>)
      } else {
      }
      %parallel_loop3A = arith.constant 0 : i32
      %parallel_loop3A_88 = arith.constant 128 : i32
      %parallel_loop3A_89 = arith.constant 1 : i32
      scf.for %parallel_loop3A_245 = %parallel_loop3A to %parallel_loop3A_88 step %parallel_loop3A_89  : i32 {
        %parallel_loop3A_246 = arith.constant 16 : i32
        %parallel_loop3A_247 = arith.muli %parallel_loop3A_245, %parallel_loop3A_246 : i32
        %parallel_loop3A_248 = arith.constant 0 : i32
        %parallel_loop3A_249 = arith.addi %parallel_loop3A_248, %parallel_loop3A_247 : i32
        %parallel_loop3A_250 = arith.index_cast %parallel_loop3A_249 : i32 to index
        %parallel_loop3A_251 = tpu.vector_load %arg6[%parallel_loop3A_250] {strides = array<i32>} : memref<16384xi32, #tpu.memory_space<vmem>>, vector<16xi32>,
        %parallel_loop3A_252 = tpu.vector_load_idx %arg5[%parallel_loop3A_251] : memref<100000xf32, #tpu.memory_space<vmem>>[vector<16xi32>], vector<16xf32>,
        %parallel_loop3A_253 = arith.constant 16 : i32
        %parallel_loop3A_254 = arith.muli %parallel_loop3A_245, %parallel_loop3A_253 : i32
        %parallel_loop3A_255 = arith.constant 0 : i32
        %parallel_loop3A_256 = arith.addi %parallel_loop3A_255, %parallel_loop3A_254 : i32
        %parallel_loop3A_257 = arith.index_cast %parallel_loop3A_256 : i32 to index
        %parallel_loop3A_258 = tpu.vector_load %arg7[%parallel_loop3A_257] {strides = array<i32>} : memref<8192xf32, #tpu.memory_space<vmem>>, vector<16xf32>,
        tpu.vector_store %arg7[%parallel_loop3A_257], %parallel_loop3A_252 {strides = array<i32>} : memref<8192xf32, #tpu.memory_space<vmem>>, vector<16xf32>,
      } {sc.loop_unroll_factor = 16 : i64, sc.parallel_access}
      %dma_start3A = arith.constant 0 : i32
      %dma_start3A_90 = tpu.memref_slice %arg7[%dma_start3A] : memref<8192xf32, #tpu.memory_space<vmem>> -> memref<2048xf32, #tpu.memory_space<vmem>>
      %dma_start3A_91 = arith.constant 0 : i32
      %dma_start3A_92 = tpu.memref_slice %arg4[%add3A_48, %dma_start3A_91] : memref<832x16384xf32, #tpu.memory_space<hbm>> -> memref<1x2048xf32, #tpu.memory_space<hbm>>
      %dma_start3A_93 = tpu.memref_squeeze %dma_start3A_92 : memref<1x2048xf32, #tpu.memory_space<hbm>> -> memref<2048xf32, #tpu.memory_space<hbm>>
      %dma_start3A_94 = arith.constant 0 : i32
      %dma_start3A_95 = tpu.memref_slice %arg4[%add3A_48, %dma_start3A_94] : memref<832x16384xf32, #tpu.memory_space<hbm>> -> memref<1x2048xf32, #tpu.memory_space<hbm>>
      %dma_start3A_96 = tpu.memref_squeeze %dma_start3A_95 : memref<1x2048xf32, #tpu.memory_space<hbm>> -> memref<2048xf32, #tpu.memory_space<hbm>>
      %dma_start3A_97 = arith.constant 0 : i32
      %dma_start3A_98 = tpu.memref_slice %arg7[%dma_start3A_97] : memref<8192xf32, #tpu.memory_space<vmem>> -> memref<2048xf32, #tpu.memory_space<vmem>>
      tpu.enqueue_dma source(%dma_start3A_98 : memref<2048xf32, #tpu.memory_space<vmem>>) target(%dma_start3A_96 : memref<2048xf32, #tpu.memory_space<hbm>>) target_semaphore(%arg8 : memref<!tpu.dma_semaphore, #tpu.memory_space<semaphore_mem>>)
      %ge3A_99 = arith.constant 1 : i32
      %ge3A_100 = arith.cmpi sge, %scan3A_47, %ge3A_99 : i32
      %convert_element_type3A_101 = arith.extui %ge3A_100 : i1 to i32
      %cond3A_102 = arith.constant 0 : i32
      %cond3A_103 = arith.cmpi ne, %convert_element_type3A_101, %cond3A_102 : i32
      scf.if %cond3A_103 {
        %dma_wait3A_245 = arith.constant 2048 : i32
        %dma_wait3A_246 = tpu.memref_slice %arg7[%dma_wait3A_245] : memref<8192xf32, #tpu.memory_space<vmem>> -> memref<2048xf32, #tpu.memory_space<vmem>>
        %dma_wait3A_247 = arith.constant 2048 : i32
        %dma_wait3A_248 = tpu.memref_slice %arg4[%add3A_48, %dma_wait3A_247] : memref<832x16384xf32, #tpu.memory_space<hbm>> -> memref<1x2048xf32, #tpu.memory_space<hbm>>
        %dma_wait3A_249 = tpu.memref_squeeze %dma_wait3A_248 : memref<1x2048xf32, #tpu.memory_space<hbm>> -> memref<2048xf32, #tpu.memory_space<hbm>>
        %dma_wait3A_250 = arith.constant 2048 : i32
        %dma_wait3A_251 = tpu.memref_slice %arg4[%add3A_48, %dma_wait3A_250] : memref<832x16384xf32, #tpu.memory_space<hbm>> -> memref<1x2048xf32, #tpu.memory_space<hbm>>
        %dma_wait3A_252 = tpu.memref_squeeze %dma_wait3A_251 : memref<1x2048xf32, #tpu.memory_space<hbm>> -> memref<2048xf32, #tpu.memory_space<hbm>>
        %dma_wait3A_253 = arith.constant 2048 : i32
        %dma_wait3A_254 = tpu.memref_slice %arg7[%dma_wait3A_253] : memref<8192xf32, #tpu.memory_space<vmem>> -> memref<2048xf32, #tpu.memory_space<vmem>>
        tpu.wait_dma2 semaphore(%arg8 : memref<!tpu.dma_semaphore, #tpu.memory_space<semaphore_mem>>) src(%dma_wait3A_254 : memref<2048xf32, #tpu.memory_space<vmem>>) dst(%dma_wait3A_252 : memref<2048xf32, #tpu.memory_space<hbm>>)
      } else {
      }
      %parallel_loop3A_104 = arith.constant 0 : i32
      %parallel_loop3A_105 = arith.constant 128 : i32
      %parallel_loop3A_106 = arith.constant 1 : i32
      scf.for %parallel_loop3A_245 = %parallel_loop3A_104 to %parallel_loop3A_105 step %parallel_loop3A_106  : i32 {
        %parallel_loop3A_246 = arith.constant 16 : i32
        %parallel_loop3A_247 = arith.muli %parallel_loop3A_245, %parallel_loop3A_246 : i32
        %parallel_loop3A_248 = arith.constant 2048 : i32
        %parallel_loop3A_249 = arith.addi %parallel_loop3A_248, %parallel_loop3A_247 : i32
        %parallel_loop3A_250 = arith.index_cast %parallel_loop3A_249 : i32 to index
        %parallel_loop3A_251 = tpu.vector_load %arg6[%parallel_loop3A_250] {strides = array<i32>} : memref<16384xi32, #tpu.memory_space<vmem>>, vector<16xi32>,
        %parallel_loop3A_252 = tpu.vector_load_idx %arg5[%parallel_loop3A_251] : memref<100000xf32, #tpu.memory_space<vmem>>[vector<16xi32>], vector<16xf32>,
        %parallel_loop3A_253 = arith.constant 16 : i32
        %parallel_loop3A_254 = arith.muli %parallel_loop3A_245, %parallel_loop3A_253 : i32
        %parallel_loop3A_255 = arith.constant 2048 : i32
        %parallel_loop3A_256 = arith.addi %parallel_loop3A_255, %parallel_loop3A_254 : i32
        %parallel_loop3A_257 = arith.index_cast %parallel_loop3A_256 : i32 to index
        %parallel_loop3A_258 = tpu.vector_load %arg7[%parallel_loop3A_257] {strides = array<i32>} : memref<8192xf32, #tpu.memory_space<vmem>>, vector<16xf32>,
        tpu.vector_store %arg7[%parallel_loop3A_257], %parallel_loop3A_252 {strides = array<i32>} : memref<8192xf32, #tpu.memory_space<vmem>>, vector<16xf32>,
      } {sc.loop_unroll_factor = 16 : i64, sc.parallel_access}
      %dma_start3A_107 = arith.constant 2048 : i32
      %dma_start3A_108 = tpu.memref_slice %arg7[%dma_start3A_107] : memref<8192xf32, #tpu.memory_space<vmem>> -> memref<2048xf32, #tpu.memory_space<vmem>>
      %dma_start3A_109 = arith.constant 2048 : i32
      %dma_start3A_110 = tpu.memref_slice %arg4[%add3A_48, %dma_start3A_109] : memref<832x16384xf32, #tpu.memory_space<hbm>> -> memref<1x2048xf32, #tpu.memory_space<hbm>>
      %dma_start3A_111 = tpu.memref_squeeze %dma_start3A_110 : memref<1x2048xf32, #tpu.memory_space<hbm>> -> memref<2048xf32, #tpu.memory_space<hbm>>
      %dma_start3A_112 = arith.constant 2048 : i32
      %dma_start3A_113 = tpu.memref_slice %arg4[%add3A_48, %dma_start3A_112] : memref<832x16384xf32, #tpu.memory_space<hbm>> -> memref<1x2048xf32, #tpu.memory_space<hbm>>
      %dma_start3A_114 = tpu.memref_squeeze %dma_start3A_113 : memref<1x2048xf32, #tpu.memory_space<hbm>> -> memref<2048xf32, #tpu.memory_space<hbm>>
      %dma_start3A_115 = arith.constant 2048 : i32
      %dma_start3A_116 = tpu.memref_slice %arg7[%dma_start3A_115] : memref<8192xf32, #tpu.memory_space<vmem>> -> memref<2048xf32, #tpu.memory_space<vmem>>
      tpu.enqueue_dma source(%dma_start3A_116 : memref<2048xf32, #tpu.memory_space<vmem>>) target(%dma_start3A_114 : memref<2048xf32, #tpu.memory_space<hbm>>) target_semaphore(%arg8 : memref<!tpu.dma_semaphore, #tpu.memory_space<semaphore_mem>>)
      %ge3A_117 = arith.constant 1 : i32
      %ge3A_118 = arith.cmpi sge, %scan3A_47, %ge3A_117 : i32
      %convert_element_type3A_119 = arith.extui %ge3A_118 : i1 to i32
      %cond3A_120 = arith.constant 0 : i32
      %cond3A_121 = arith.cmpi ne, %convert_element_type3A_119, %cond3A_120 : i32
      scf.if %cond3A_121 {
        %dma_wait3A_245 = arith.constant 4096 : i32
        %dma_wait3A_246 = tpu.memref_slice %arg7[%dma_wait3A_245] : memref<8192xf32, #tpu.memory_space<vmem>> -> memref<2048xf32, #tpu.memory_space<vmem>>
        %dma_wait3A_247 = arith.constant 4096 : i32
        %dma_wait3A_248 = tpu.memref_slice %arg4[%add3A_48, %dma_wait3A_247] : memref<832x16384xf32, #tpu.memory_space<hbm>> -> memref<1x2048xf32, #tpu.memory_space<hbm>>
        %dma_wait3A_249 = tpu.memref_squeeze %dma_wait3A_248 : memref<1x2048xf32, #tpu.memory_space<hbm>> -> memref<2048xf32, #tpu.memory_space<hbm>>
        %dma_wait3A_250 = arith.constant 4096 : i32
        %dma_wait3A_251 = tpu.memref_slice %arg4[%add3A_48, %dma_wait3A_250] : memref<832x16384xf32, #tpu.memory_space<hbm>> -> memref<1x2048xf32, #tpu.memory_space<hbm>>
        %dma_wait3A_252 = tpu.memref_squeeze %dma_wait3A_251 : memref<1x2048xf32, #tpu.memory_space<hbm>> -> memref<2048xf32, #tpu.memory_space<hbm>>
        %dma_wait3A_253 = arith.constant 4096 : i32
        %dma_wait3A_254 = tpu.memref_slice %arg7[%dma_wait3A_253] : memref<8192xf32, #tpu.memory_space<vmem>> -> memref<2048xf32, #tpu.memory_space<vmem>>
        tpu.wait_dma2 semaphore(%arg8 : memref<!tpu.dma_semaphore, #tpu.memory_space<semaphore_mem>>) src(%dma_wait3A_254 : memref<2048xf32, #tpu.memory_space<vmem>>) dst(%dma_wait3A_252 : memref<2048xf32, #tpu.memory_space<hbm>>)
      } else {
      }
      %parallel_loop3A_122 = arith.constant 0 : i32
      %parallel_loop3A_123 = arith.constant 128 : i32
      %parallel_loop3A_124 = arith.constant 1 : i32
      scf.for %parallel_loop3A_245 = %parallel_loop3A_122 to %parallel_loop3A_123 step %parallel_loop3A_124  : i32 {
        %parallel_loop3A_246 = arith.constant 16 : i32
        %parallel_loop3A_247 = arith.muli %parallel_loop3A_245, %parallel_loop3A_246 : i32
        %parallel_loop3A_248 = arith.constant 4096 : i32
        %parallel_loop3A_249 = arith.addi %parallel_loop3A_248, %parallel_loop3A_247 : i32
        %parallel_loop3A_250 = arith.index_cast %parallel_loop3A_249 : i32 to index
        %parallel_loop3A_251 = tpu.vector_load %arg6[%parallel_loop3A_250] {strides = array<i32>} : memref<16384xi32, #tpu.memory_space<vmem>>, vector<16xi32>,
        %parallel_loop3A_252 = tpu.vector_load_idx %arg5[%parallel_loop3A_251] : memref<100000xf32, #tpu.memory_space<vmem>>[vector<16xi32>], vector<16xf32>,
        %parallel_loop3A_253 = arith.constant 16 : i32
        %parallel_loop3A_254 = arith.muli %parallel_loop3A_245, %parallel_loop3A_253 : i32
        %parallel_loop3A_255 = arith.constant 4096 : i32
        %parallel_loop3A_256 = arith.addi %parallel_loop3A_255, %parallel_loop3A_254 : i32
        %parallel_loop3A_257 = arith.index_cast %parallel_loop3A_256 : i32 to index
        %parallel_loop3A_258 = tpu.vector_load %arg7[%parallel_loop3A_257] {strides = array<i32>} : memref<8192xf32, #tpu.memory_space<vmem>>, vector<16xf32>,
        tpu.vector_store %arg7[%parallel_loop3A_257], %parallel_loop3A_252 {strides = array<i32>} : memref<8192xf32, #tpu.memory_space<vmem>>, vector<16xf32>,
      } {sc.loop_unroll_factor = 16 : i64, sc.parallel_access}
      %dma_start3A_125 = arith.constant 4096 : i32
      %dma_start3A_126 = tpu.memref_slice %arg7[%dma_start3A_125] : memref<8192xf32, #tpu.memory_space<vmem>> -> memref<2048xf32, #tpu.memory_space<vmem>>
      %dma_start3A_127 = arith.constant 4096 : i32
      %dma_start3A_128 = tpu.memref_slice %arg4[%add3A_48, %dma_start3A_127] : memref<832x16384xf32, #tpu.memory_space<hbm>> -> memref<1x2048xf32, #tpu.memory_space<hbm>>
      %dma_start3A_129 = tpu.memref_squeeze %dma_start3A_128 : memref<1x2048xf32, #tpu.memory_space<hbm>> -> memref<2048xf32, #tpu.memory_space<hbm>>
      %dma_start3A_130 = arith.constant 4096 : i32
      %dma_start3A_131 = tpu.memref_slice %arg4[%add3A_48, %dma_start3A_130] : memref<832x16384xf32, #tpu.memory_space<hbm>> -> memref<1x2048xf32, #tpu.memory_space<hbm>>
      %dma_start3A_132 = tpu.memref_squeeze %dma_start3A_131 : memref<1x2048xf32, #tpu.memory_space<hbm>> -> memref<2048xf32, #tpu.memory_space<hbm>>
      %dma_start3A_133 = arith.constant 4096 : i32
      %dma_start3A_134 = tpu.memref_slice %arg7[%dma_start3A_133] : memref<8192xf32, #tpu.memory_space<vmem>> -> memref<2048xf32, #tpu.memory_space<vmem>>
      tpu.enqueue_dma source(%dma_start3A_134 : memref<2048xf32, #tpu.memory_space<vmem>>) target(%dma_start3A_132 : memref<2048xf32, #tpu.memory_space<hbm>>) target_semaphore(%arg8 : memref<!tpu.dma_semaphore, #tpu.memory_space<semaphore_mem>>)
      %ge3A_135 = arith.constant 1 : i32
      %ge3A_136 = arith.cmpi sge, %scan3A_47, %ge3A_135 : i32
      %convert_element_type3A_137 = arith.extui %ge3A_136 : i1 to i32
      %cond3A_138 = arith.constant 0 : i32
      %cond3A_139 = arith.cmpi ne, %convert_element_type3A_137, %cond3A_138 : i32
      scf.if %cond3A_139 {
        %dma_wait3A_245 = arith.constant 6144 : i32
        %dma_wait3A_246 = tpu.memref_slice %arg7[%dma_wait3A_245] : memref<8192xf32, #tpu.memory_space<vmem>> -> memref<2048xf32, #tpu.memory_space<vmem>>
        %dma_wait3A_247 = arith.constant 6144 : i32
        %dma_wait3A_248 = tpu.memref_slice %arg4[%add3A_48, %dma_wait3A_247] : memref<832x16384xf32, #tpu.memory_space<hbm>> -> memref<1x2048xf32, #tpu.memory_space<hbm>>
        %dma_wait3A_249 = tpu.memref_squeeze %dma_wait3A_248 : memref<1x2048xf32, #tpu.memory_space<hbm>> -> memref<2048xf32, #tpu.memory_space<hbm>>
        %dma_wait3A_250 = arith.constant 6144 : i32
        %dma_wait3A_251 = tpu.memref_slice %arg4[%add3A_48, %dma_wait3A_250] : memref<832x16384xf32, #tpu.memory_space<hbm>> -> memref<1x2048xf32, #tpu.memory_space<hbm>>
        %dma_wait3A_252 = tpu.memref_squeeze %dma_wait3A_251 : memref<1x2048xf32, #tpu.memory_space<hbm>> -> memref<2048xf32, #tpu.memory_space<hbm>>
        %dma_wait3A_253 = arith.constant 6144 : i32
        %dma_wait3A_254 = tpu.memref_slice %arg7[%dma_wait3A_253] : memref<8192xf32, #tpu.memory_space<vmem>> -> memref<2048xf32, #tpu.memory_space<vmem>>
        tpu.wait_dma2 semaphore(%arg8 : memref<!tpu.dma_semaphore, #tpu.memory_space<semaphore_mem>>) src(%dma_wait3A_254 : memref<2048xf32, #tpu.memory_space<vmem>>) dst(%dma_wait3A_252 : memref<2048xf32, #tpu.memory_space<hbm>>)
      } else {
      }
      %parallel_loop3A_140 = arith.constant 0 : i32
      %parallel_loop3A_141 = arith.constant 128 : i32
      %parallel_loop3A_142 = arith.constant 1 : i32
      scf.for %parallel_loop3A_245 = %parallel_loop3A_140 to %parallel_loop3A_141 step %parallel_loop3A_142  : i32 {
        %parallel_loop3A_246 = arith.constant 16 : i32
        %parallel_loop3A_247 = arith.muli %parallel_loop3A_245, %parallel_loop3A_246 : i32
        %parallel_loop3A_248 = arith.constant 6144 : i32
        %parallel_loop3A_249 = arith.addi %parallel_loop3A_248, %parallel_loop3A_247 : i32
        %parallel_loop3A_250 = arith.index_cast %parallel_loop3A_249 : i32 to index
        %parallel_loop3A_251 = tpu.vector_load %arg6[%parallel_loop3A_250] {strides = array<i32>} : memref<16384xi32, #tpu.memory_space<vmem>>, vector<16xi32>,
        %parallel_loop3A_252 = tpu.vector_load_idx %arg5[%parallel_loop3A_251] : memref<100000xf32, #tpu.memory_space<vmem>>[vector<16xi32>], vector<16xf32>,
        %parallel_loop3A_253 = arith.constant 16 : i32
        %parallel_loop3A_254 = arith.muli %parallel_loop3A_245, %parallel_loop3A_253 : i32
        %parallel_loop3A_255 = arith.constant 6144 : i32
        %parallel_loop3A_256 = arith.addi %parallel_loop3A_255, %parallel_loop3A_254 : i32
        %parallel_loop3A_257 = arith.index_cast %parallel_loop3A_256 : i32 to index
        %parallel_loop3A_258 = tpu.vector_load %arg7[%parallel_loop3A_257] {strides = array<i32>} : memref<8192xf32, #tpu.memory_space<vmem>>, vector<16xf32>,
        tpu.vector_store %arg7[%parallel_loop3A_257], %parallel_loop3A_252 {strides = array<i32>} : memref<8192xf32, #tpu.memory_space<vmem>>, vector<16xf32>,
      } {sc.loop_unroll_factor = 16 : i64, sc.parallel_access}
      %dma_start3A_143 = arith.constant 6144 : i32
      %dma_start3A_144 = tpu.memref_slice %arg7[%dma_start3A_143] : memref<8192xf32, #tpu.memory_space<vmem>> -> memref<2048xf32, #tpu.memory_space<vmem>>
      %dma_start3A_145 = arith.constant 6144 : i32
      %dma_start3A_146 = tpu.memref_slice %arg4[%add3A_48, %dma_start3A_145] : memref<832x16384xf32, #tpu.memory_space<hbm>> -> memref<1x2048xf32, #tpu.memory_space<hbm>>
      %dma_start3A_147 = tpu.memref_squeeze %dma_start3A_146 : memref<1x2048xf32, #tpu.memory_space<hbm>> -> memref<2048xf32, #tpu.memory_space<hbm>>
      %dma_start3A_148 = arith.constant 6144 : i32
      %dma_start3A_149 = tpu.memref_slice %arg4[%add3A_48, %dma_start3A_148] : memref<832x16384xf32, #tpu.memory_space<hbm>> -> memref<1x2048xf32, #tpu.memory_space<hbm>>
      %dma_start3A_150 = tpu.memref_squeeze %dma_start3A_149 : memref<1x2048xf32, #tpu.memory_space<hbm>> -> memref<2048xf32, #tpu.memory_space<hbm>>
      %dma_start3A_151 = arith.constant 6144 : i32
      %dma_start3A_152 = tpu.memref_slice %arg7[%dma_start3A_151] : memref<8192xf32, #tpu.memory_space<vmem>> -> memref<2048xf32, #tpu.memory_space<vmem>>
      tpu.enqueue_dma source(%dma_start3A_152 : memref<2048xf32, #tpu.memory_space<vmem>>) target(%dma_start3A_150 : memref<2048xf32, #tpu.memory_space<hbm>>) target_semaphore(%arg8 : memref<!tpu.dma_semaphore, #tpu.memory_space<semaphore_mem>>)
      %dma_wait3A_153 = arith.constant 0 : i32
      %dma_wait3A_154 = tpu.memref_slice %arg7[%dma_wait3A_153] : memref<8192xf32, #tpu.memory_space<vmem>> -> memref<2048xf32, #tpu.memory_space<vmem>>
      %dma_wait3A_155 = arith.constant 8192 : i32
      %dma_wait3A_156 = tpu.memref_slice %arg4[%add3A_48, %dma_wait3A_155] : memref<832x16384xf32, #tpu.memory_space<hbm>> -> memref<1x2048xf32, #tpu.memory_space<hbm>>
      %dma_wait3A_157 = tpu.memref_squeeze %dma_wait3A_156 : memref<1x2048xf32, #tpu.memory_space<hbm>> -> memref<2048xf32, #tpu.memory_space<hbm>>
      %dma_wait3A_158 = arith.constant 8192 : i32
      %dma_wait3A_159 = tpu.memref_slice %arg4[%add3A_48, %dma_wait3A_158] : memref<832x16384xf32, #tpu.memory_space<hbm>> -> memref<1x2048xf32, #tpu.memory_space<hbm>>
      %dma_wait3A_160 = tpu.memref_squeeze %dma_wait3A_159 : memref<1x2048xf32, #tpu.memory_space<hbm>> -> memref<2048xf32, #tpu.memory_space<hbm>>
      %dma_wait3A_161 = arith.constant 0 : i32
      %dma_wait3A_162 = tpu.memref_slice %arg7[%dma_wait3A_161] : memref<8192xf32, #tpu.memory_space<vmem>> -> memref<2048xf32, #tpu.memory_space<vmem>>
      tpu.wait_dma2 semaphore(%arg8 : memref<!tpu.dma_semaphore, #tpu.memory_space<semaphore_mem>>) src(%dma_wait3A_162 : memref<2048xf32, #tpu.memory_space<vmem>>) dst(%dma_wait3A_160 : memref<2048xf32, #tpu.memory_space<hbm>>)
      %parallel_loop3A_163 = arith.constant 0 : i32
      %parallel_loop3A_164 = arith.constant 128 : i32
      %parallel_loop3A_165 = arith.constant 1 : i32
      scf.for %parallel_loop3A_245 = %parallel_loop3A_163 to %parallel_loop3A_164 step %parallel_loop3A_165  : i32 {
        %parallel_loop3A_246 = arith.constant 16 : i32
        %parallel_loop3A_247 = arith.muli %parallel_loop3A_245, %parallel_loop3A_246 : i32
        %parallel_loop3A_248 = arith.constant 8192 : i32
        %parallel_loop3A_249 = arith.addi %parallel_loop3A_248, %parallel_loop3A_247 : i32
        %parallel_loop3A_250 = arith.index_cast %parallel_loop3A_249 : i32 to index
        %parallel_loop3A_251 = tpu.vector_load %arg6[%parallel_loop3A_250] {strides = array<i32>} : memref<16384xi32, #tpu.memory_space<vmem>>, vector<16xi32>,
        %parallel_loop3A_252 = tpu.vector_load_idx %arg5[%parallel_loop3A_251] : memref<100000xf32, #tpu.memory_space<vmem>>[vector<16xi32>], vector<16xf32>,
        %parallel_loop3A_253 = arith.constant 16 : i32
        %parallel_loop3A_254 = arith.muli %parallel_loop3A_245, %parallel_loop3A_253 : i32
        %parallel_loop3A_255 = arith.constant 0 : i32
        %parallel_loop3A_256 = arith.addi %parallel_loop3A_255, %parallel_loop3A_254 : i32
        %parallel_loop3A_257 = arith.index_cast %parallel_loop3A_256 : i32 to index
        %parallel_loop3A_258 = tpu.vector_load %arg7[%parallel_loop3A_257] {strides = array<i32>} : memref<8192xf32, #tpu.memory_space<vmem>>, vector<16xf32>,
        tpu.vector_store %arg7[%parallel_loop3A_257], %parallel_loop3A_252 {strides = array<i32>} : memref<8192xf32, #tpu.memory_space<vmem>>, vector<16xf32>,
      } {sc.loop_unroll_factor = 16 : i64, sc.parallel_access}
      %dma_start3A_166 = arith.constant 0 : i32
      %dma_start3A_167 = tpu.memref_slice %arg7[%dma_start3A_166] : memref<8192xf32, #tpu.memory_space<vmem>> -> memref<2048xf32, #tpu.memory_space<vmem>>
      %dma_start3A_168 = arith.constant 8192 : i32
      %dma_start3A_169 = tpu.memref_slice %arg4[%add3A_48, %dma_start3A_168] : memref<832x16384xf32, #tpu.memory_space<hbm>> -> memref<1x2048xf32, #tpu.memory_space<hbm>>
      %dma_start3A_170 = tpu.memref_squeeze %dma_start3A_169 : memref<1x2048xf32, #tpu.memory_space<hbm>> -> memref<2048xf32, #tpu.memory_space<hbm>>
      %dma_start3A_171 = arith.constant 8192 : i32
      %dma_start3A_172 = tpu.memref_slice %arg4[%add3A_48, %dma_start3A_171] : memref<832x16384xf32, #tpu.memory_space<hbm>> -> memref<1x2048xf32, #tpu.memory_space<hbm>>
      %dma_start3A_173 = tpu.memref_squeeze %dma_start3A_172 : memref<1x2048xf32, #tpu.memory_space<hbm>> -> memref<2048xf32, #tpu.memory_space<hbm>>
      %dma_start3A_174 = arith.constant 0 : i32
      %dma_start3A_175 = tpu.memref_slice %arg7[%dma_start3A_174] : memref<8192xf32, #tpu.memory_space<vmem>> -> memref<2048xf32, #tpu.memory_space<vmem>>
      tpu.enqueue_dma source(%dma_start3A_175 : memref<2048xf32, #tpu.memory_space<vmem>>) target(%dma_start3A_173 : memref<2048xf32, #tpu.memory_space<hbm>>) target_semaphore(%arg8 : memref<!tpu.dma_semaphore, #tpu.memory_space<semaphore_mem>>)
      %dma_wait3A_176 = arith.constant 2048 : i32
      %dma_wait3A_177 = tpu.memref_slice %arg7[%dma_wait3A_176] : memref<8192xf32, #tpu.memory_space<vmem>> -> memref<2048xf32, #tpu.memory_space<vmem>>
      %dma_wait3A_178 = arith.constant 10240 : i32
      %dma_wait3A_179 = tpu.memref_slice %arg4[%add3A_48, %dma_wait3A_178] : memref<832x16384xf32, #tpu.memory_space<hbm>> -> memref<1x2048xf32, #tpu.memory_space<hbm>>
      %dma_wait3A_180 = tpu.memref_squeeze %dma_wait3A_179 : memref<1x2048xf32, #tpu.memory_space<hbm>> -> memref<2048xf32, #tpu.memory_space<hbm>>
      %dma_wait3A_181 = arith.constant 10240 : i32
      %dma_wait3A_182 = tpu.memref_slice %arg4[%add3A_48, %dma_wait3A_181] : memref<832x16384xf32, #tpu.memory_space<hbm>> -> memref<1x2048xf32, #tpu.memory_space<hbm>>
      %dma_wait3A_183 = tpu.memref_squeeze %dma_wait3A_182 : memref<1x2048xf32, #tpu.memory_space<hbm>> -> memref<2048xf32, #tpu.memory_space<hbm>>
      %dma_wait3A_184 = arith.constant 2048 : i32
      %dma_wait3A_185 = tpu.memref_slice %arg7[%dma_wait3A_184] : memref<8192xf32, #tpu.memory_space<vmem>> -> memref<2048xf32, #tpu.memory_space<vmem>>
      tpu.wait_dma2 semaphore(%arg8 : memref<!tpu.dma_semaphore, #tpu.memory_space<semaphore_mem>>) src(%dma_wait3A_185 : memref<2048xf32, #tpu.memory_space<vmem>>) dst(%dma_wait3A_183 : memref<2048xf32, #tpu.memory_space<hbm>>)
      %parallel_loop3A_186 = arith.constant 0 : i32
      %parallel_loop3A_187 = arith.constant 128 : i32
      %parallel_loop3A_188 = arith.constant 1 : i32
      scf.for %parallel_loop3A_245 = %parallel_loop3A_186 to %parallel_loop3A_187 step %parallel_loop3A_188  : i32 {
        %parallel_loop3A_246 = arith.constant 16 : i32
        %parallel_loop3A_247 = arith.muli %parallel_loop3A_245, %parallel_loop3A_246 : i32
        %parallel_loop3A_248 = arith.constant 10240 : i32
        %parallel_loop3A_249 = arith.addi %parallel_loop3A_248, %parallel_loop3A_247 : i32
        %parallel_loop3A_250 = arith.index_cast %parallel_loop3A_249 : i32 to index
        %parallel_loop3A_251 = tpu.vector_load %arg6[%parallel_loop3A_250] {strides = array<i32>} : memref<16384xi32, #tpu.memory_space<vmem>>, vector<16xi32>,
        %parallel_loop3A_252 = tpu.vector_load_idx %arg5[%parallel_loop3A_251] : memref<100000xf32, #tpu.memory_space<vmem>>[vector<16xi32>], vector<16xf32>,
        %parallel_loop3A_253 = arith.constant 16 : i32
        %parallel_loop3A_254 = arith.muli %parallel_loop3A_245, %parallel_loop3A_253 : i32
        %parallel_loop3A_255 = arith.constant 2048 : i32
        %parallel_loop3A_256 = arith.addi %parallel_loop3A_255, %parallel_loop3A_254 : i32
        %parallel_loop3A_257 = arith.index_cast %parallel_loop3A_256 : i32 to index
        %parallel_loop3A_258 = tpu.vector_load %arg7[%parallel_loop3A_257] {strides = array<i32>} : memref<8192xf32, #tpu.memory_space<vmem>>, vector<16xf32>,
        tpu.vector_store %arg7[%parallel_loop3A_257], %parallel_loop3A_252 {strides = array<i32>} : memref<8192xf32, #tpu.memory_space<vmem>>, vector<16xf32>,
      } {sc.loop_unroll_factor = 16 : i64, sc.parallel_access}
      %dma_start3A_189 = arith.constant 2048 : i32
      %dma_start3A_190 = tpu.memref_slice %arg7[%dma_start3A_189] : memref<8192xf32, #tpu.memory_space<vmem>> -> memref<2048xf32, #tpu.memory_space<vmem>>
      %dma_start3A_191 = arith.constant 10240 : i32
      %dma_start3A_192 = tpu.memref_slice %arg4[%add3A_48, %dma_start3A_191] : memref<832x16384xf32, #tpu.memory_space<hbm>> -> memref<1x2048xf32, #tpu.memory_space<hbm>>
      %dma_start3A_193 = tpu.memref_squeeze %dma_start3A_192 : memref<1x2048xf32, #tpu.memory_space<hbm>> -> memref<2048xf32, #tpu.memory_space<hbm>>
      %dma_start3A_194 = arith.constant 10240 : i32
      %dma_start3A_195 = tpu.memref_slice %arg4[%add3A_48, %dma_start3A_194] : memref<832x16384xf32, #tpu.memory_space<hbm>> -> memref<1x2048xf32, #tpu.memory_space<hbm>>
      %dma_start3A_196 = tpu.memref_squeeze %dma_start3A_195 : memref<1x2048xf32, #tpu.memory_space<hbm>> -> memref<2048xf32, #tpu.memory_space<hbm>>
      %dma_start3A_197 = arith.constant 2048 : i32
      %dma_start3A_198 = tpu.memref_slice %arg7[%dma_start3A_197] : memref<8192xf32, #tpu.memory_space<vmem>> -> memref<2048xf32, #tpu.memory_space<vmem>>
      tpu.enqueue_dma source(%dma_start3A_198 : memref<2048xf32, #tpu.memory_space<vmem>>) target(%dma_start3A_196 : memref<2048xf32, #tpu.memory_space<hbm>>) target_semaphore(%arg8 : memref<!tpu.dma_semaphore, #tpu.memory_space<semaphore_mem>>)
      %dma_wait3A_199 = arith.constant 4096 : i32
      %dma_wait3A_200 = tpu.memref_slice %arg7[%dma_wait3A_199] : memref<8192xf32, #tpu.memory_space<vmem>> -> memref<2048xf32, #tpu.memory_space<vmem>>
      %dma_wait3A_201 = arith.constant 12288 : i32
      %dma_wait3A_202 = tpu.memref_slice %arg4[%add3A_48, %dma_wait3A_201] : memref<832x16384xf32, #tpu.memory_space<hbm>> -> memref<1x2048xf32, #tpu.memory_space<hbm>>
      %dma_wait3A_203 = tpu.memref_squeeze %dma_wait3A_202 : memref<1x2048xf32, #tpu.memory_space<hbm>> -> memref<2048xf32, #tpu.memory_space<hbm>>
      %dma_wait3A_204 = arith.constant 12288 : i32
      %dma_wait3A_205 = tpu.memref_slice %arg4[%add3A_48, %dma_wait3A_204] : memref<832x16384xf32, #tpu.memory_space<hbm>> -> memref<1x2048xf32, #tpu.memory_space<hbm>>
      %dma_wait3A_206 = tpu.memref_squeeze %dma_wait3A_205 : memref<1x2048xf32, #tpu.memory_space<hbm>> -> memref<2048xf32, #tpu.memory_space<hbm>>
      %dma_wait3A_207 = arith.constant 4096 : i32
      %dma_wait3A_208 = tpu.memref_slice %arg7[%dma_wait3A_207] : memref<8192xf32, #tpu.memory_space<vmem>> -> memref<2048xf32, #tpu.memory_space<vmem>>
      tpu.wait_dma2 semaphore(%arg8 : memref<!tpu.dma_semaphore, #tpu.memory_space<semaphore_mem>>) src(%dma_wait3A_208 : memref<2048xf32, #tpu.memory_space<vmem>>) dst(%dma_wait3A_206 : memref<2048xf32, #tpu.memory_space<hbm>>)
      %parallel_loop3A_209 = arith.constant 0 : i32
      %parallel_loop3A_210 = arith.constant 128 : i32
      %parallel_loop3A_211 = arith.constant 1 : i32
      scf.for %parallel_loop3A_245 = %parallel_loop3A_209 to %parallel_loop3A_210 step %parallel_loop3A_211  : i32 {
        %parallel_loop3A_246 = arith.constant 16 : i32
        %parallel_loop3A_247 = arith.muli %parallel_loop3A_245, %parallel_loop3A_246 : i32
        %parallel_loop3A_248 = arith.constant 12288 : i32
        %parallel_loop3A_249 = arith.addi %parallel_loop3A_248, %parallel_loop3A_247 : i32
        %parallel_loop3A_250 = arith.index_cast %parallel_loop3A_249 : i32 to index
        %parallel_loop3A_251 = tpu.vector_load %arg6[%parallel_loop3A_250] {strides = array<i32>} : memref<16384xi32, #tpu.memory_space<vmem>>, vector<16xi32>,
        %parallel_loop3A_252 = tpu.vector_load_idx %arg5[%parallel_loop3A_251] : memref<100000xf32, #tpu.memory_space<vmem>>[vector<16xi32>], vector<16xf32>,
        %parallel_loop3A_253 = arith.constant 16 : i32
        %parallel_loop3A_254 = arith.muli %parallel_loop3A_245, %parallel_loop3A_253 : i32
        %parallel_loop3A_255 = arith.constant 4096 : i32
        %parallel_loop3A_256 = arith.addi %parallel_loop3A_255, %parallel_loop3A_254 : i32
        %parallel_loop3A_257 = arith.index_cast %parallel_loop3A_256 : i32 to index
        %parallel_loop3A_258 = tpu.vector_load %arg7[%parallel_loop3A_257] {strides = array<i32>} : memref<8192xf32, #tpu.memory_space<vmem>>, vector<16xf32>,
        tpu.vector_store %arg7[%parallel_loop3A_257], %parallel_loop3A_252 {strides = array<i32>} : memref<8192xf32, #tpu.memory_space<vmem>>, vector<16xf32>,
      } {sc.loop_unroll_factor = 16 : i64, sc.parallel_access}
      %dma_start3A_212 = arith.constant 4096 : i32
      %dma_start3A_213 = tpu.memref_slice %arg7[%dma_start3A_212] : memref<8192xf32, #tpu.memory_space<vmem>> -> memref<2048xf32, #tpu.memory_space<vmem>>
      %dma_start3A_214 = arith.constant 12288 : i32
      %dma_start3A_215 = tpu.memref_slice %arg4[%add3A_48, %dma_start3A_214] : memref<832x16384xf32, #tpu.memory_space<hbm>> -> memref<1x2048xf32, #tpu.memory_space<hbm>>
      %dma_start3A_216 = tpu.memref_squeeze %dma_start3A_215 : memref<1x2048xf32, #tpu.memory_space<hbm>> -> memref<2048xf32, #tpu.memory_space<hbm>>
      %dma_start3A_217 = arith.constant 12288 : i32
      %dma_start3A_218 = tpu.memref_slice %arg4[%add3A_48, %dma_start3A_217] : memref<832x16384xf32, #tpu.memory_space<hbm>> -> memref<1x2048xf32, #tpu.memory_space<hbm>>
      %dma_start3A_219 = tpu.memref_squeeze %dma_start3A_218 : memref<1x2048xf32, #tpu.memory_space<hbm>> -> memref<2048xf32, #tpu.memory_space<hbm>>
      %dma_start3A_220 = arith.constant 4096 : i32
      %dma_start3A_221 = tpu.memref_slice %arg7[%dma_start3A_220] : memref<8192xf32, #tpu.memory_space<vmem>> -> memref<2048xf32, #tpu.memory_space<vmem>>
      tpu.enqueue_dma source(%dma_start3A_221 : memref<2048xf32, #tpu.memory_space<vmem>>) target(%dma_start3A_219 : memref<2048xf32, #tpu.memory_space<hbm>>) target_semaphore(%arg8 : memref<!tpu.dma_semaphore, #tpu.memory_space<semaphore_mem>>)
      %dma_wait3A_222 = arith.constant 6144 : i32
      %dma_wait3A_223 = tpu.memref_slice %arg7[%dma_wait3A_222] : memref<8192xf32, #tpu.memory_space<vmem>> -> memref<2048xf32, #tpu.memory_space<vmem>>
      %dma_wait3A_224 = arith.constant 14336 : i32
      %dma_wait3A_225 = tpu.memref_slice %arg4[%add3A_48, %dma_wait3A_224] : memref<832x16384xf32, #tpu.memory_space<hbm>> -> memref<1x2048xf32, #tpu.memory_space<hbm>>
      %dma_wait3A_226 = tpu.memref_squeeze %dma_wait3A_225 : memref<1x2048xf32, #tpu.memory_space<hbm>> -> memref<2048xf32, #tpu.memory_space<hbm>>
      %dma_wait3A_227 = arith.constant 14336 : i32
      %dma_wait3A_228 = tpu.memref_slice %arg4[%add3A_48, %dma_wait3A_227] : memref<832x16384xf32, #tpu.memory_space<hbm>> -> memref<1x2048xf32, #tpu.memory_space<hbm>>
      %dma_wait3A_229 = tpu.memref_squeeze %dma_wait3A_228 : memref<1x2048xf32, #tpu.memory_space<hbm>> -> memref<2048xf32, #tpu.memory_space<hbm>>
      %dma_wait3A_230 = arith.constant 6144 : i32
      %dma_wait3A_231 = tpu.memref_slice %arg7[%dma_wait3A_230] : memref<8192xf32, #tpu.memory_space<vmem>> -> memref<2048xf32, #tpu.memory_space<vmem>>
      tpu.wait_dma2 semaphore(%arg8 : memref<!tpu.dma_semaphore, #tpu.memory_space<semaphore_mem>>) src(%dma_wait3A_231 : memref<2048xf32, #tpu.memory_space<vmem>>) dst(%dma_wait3A_229 : memref<2048xf32, #tpu.memory_space<hbm>>)
      %parallel_loop3A_232 = arith.constant 0 : i32
      %parallel_loop3A_233 = arith.constant 128 : i32
      %parallel_loop3A_234 = arith.constant 1 : i32
      scf.for %parallel_loop3A_245 = %parallel_loop3A_232 to %parallel_loop3A_233 step %parallel_loop3A_234  : i32 {
        %parallel_loop3A_246 = arith.constant 16 : i32
        %parallel_loop3A_247 = arith.muli %parallel_loop3A_245, %parallel_loop3A_246 : i32
        %parallel_loop3A_248 = arith.constant 14336 : i32
        %parallel_loop3A_249 = arith.addi %parallel_loop3A_248, %parallel_loop3A_247 : i32
        %parallel_loop3A_250 = arith.index_cast %parallel_loop3A_249 : i32 to index
        %parallel_loop3A_251 = tpu.vector_load %arg6[%parallel_loop3A_250] {strides = array<i32>} : memref<16384xi32, #tpu.memory_space<vmem>>, vector<16xi32>,
        %parallel_loop3A_252 = tpu.vector_load_idx %arg5[%parallel_loop3A_251] : memref<100000xf32, #tpu.memory_space<vmem>>[vector<16xi32>], vector<16xf32>,
        %parallel_loop3A_253 = arith.constant 16 : i32
        %parallel_loop3A_254 = arith.muli %parallel_loop3A_245, %parallel_loop3A_253 : i32
        %parallel_loop3A_255 = arith.constant 6144 : i32
        %parallel_loop3A_256 = arith.addi %parallel_loop3A_255, %parallel_loop3A_254 : i32
        %parallel_loop3A_257 = arith.index_cast %parallel_loop3A_256 : i32 to index
        %parallel_loop3A_258 = tpu.vector_load %arg7[%parallel_loop3A_257] {strides = array<i32>} : memref<8192xf32, #tpu.memory_space<vmem>>, vector<16xf32>,
        tpu.vector_store %arg7[%parallel_loop3A_257], %parallel_loop3A_252 {strides = array<i32>} : memref<8192xf32, #tpu.memory_space<vmem>>, vector<16xf32>,
      } {sc.loop_unroll_factor = 16 : i64, sc.parallel_access}
      %dma_start3A_235 = arith.constant 6144 : i32
      %dma_start3A_236 = tpu.memref_slice %arg7[%dma_start3A_235] : memref<8192xf32, #tpu.memory_space<vmem>> -> memref<2048xf32, #tpu.memory_space<vmem>>
      %dma_start3A_237 = arith.constant 14336 : i32
      %dma_start3A_238 = tpu.memref_slice %arg4[%add3A_48, %dma_start3A_237] : memref<832x16384xf32, #tpu.memory_space<hbm>> -> memref<1x2048xf32, #tpu.memory_space<hbm>>
      %dma_start3A_239 = tpu.memref_squeeze %dma_start3A_238 : memref<1x2048xf32, #tpu.memory_space<hbm>> -> memref<2048xf32, #tpu.memory_space<hbm>>
      %dma_start3A_240 = arith.constant 14336 : i32
      %dma_start3A_241 = tpu.memref_slice %arg4[%add3A_48, %dma_start3A_240] : memref<832x16384xf32, #tpu.memory_space<hbm>> -> memref<1x2048xf32, #tpu.memory_space<hbm>>
      %dma_start3A_242 = tpu.memref_squeeze %dma_start3A_241 : memref<1x2048xf32, #tpu.memory_space<hbm>> -> memref<2048xf32, #tpu.memory_space<hbm>>
      %dma_start3A_243 = arith.constant 6144 : i32
      %dma_start3A_244 = tpu.memref_slice %arg7[%dma_start3A_243] : memref<8192xf32, #tpu.memory_space<vmem>> -> memref<2048xf32, #tpu.memory_space<vmem>>
      tpu.enqueue_dma source(%dma_start3A_244 : memref<2048xf32, #tpu.memory_space<vmem>>) target(%dma_start3A_242 : memref<2048xf32, #tpu.memory_space<hbm>>) target_semaphore(%arg8 : memref<!tpu.dma_semaphore, #tpu.memory_space<semaphore_mem>>)
    }
    %scan3A_7 = arith.constant 26 : i32
    %dma_wait3A = arith.constant 0 : i32
    %dma_wait3A_8 = tpu.memref_slice %arg7[%dma_wait3A] : memref<8192xf32, #tpu.memory_space<vmem>> -> memref<2048xf32, #tpu.memory_space<vmem>>
    %dma_wait3A_9 = arith.constant 0 : i32
    %dma_wait3A_10 = tpu.memref_slice %arg4[%mul3A_2, %dma_wait3A_9] : memref<832x16384xf32, #tpu.memory_space<hbm>> -> memref<1x2048xf32, #tpu.memory_space<hbm>>
    %dma_wait3A_11 = tpu.memref_squeeze %dma_wait3A_10 : memref<1x2048xf32, #tpu.memory_space<hbm>> -> memref<2048xf32, #tpu.memory_space<hbm>>
    %dma_wait3A_12 = arith.constant 0 : i32
    %dma_wait3A_13 = tpu.memref_slice %arg4[%mul3A_2, %dma_wait3A_12] : memref<832x16384xf32, #tpu.memory_space<hbm>> -> memref<1x2048xf32, #tpu.memory_space<hbm>>
    %dma_wait3A_14 = tpu.memref_squeeze %dma_wait3A_13 : memref<1x2048xf32, #tpu.memory_space<hbm>> -> memref<2048xf32, #tpu.memory_space<hbm>>
    %dma_wait3A_15 = arith.constant 0 : i32
    %dma_wait3A_16 = tpu.memref_slice %arg7[%dma_wait3A_15] : memref<8192xf32, #tpu.memory_space<vmem>> -> memref<2048xf32, #tpu.memory_space<vmem>>
    tpu.wait_dma2 semaphore(%arg8 : memref<!tpu.dma_semaphore, #tpu.memory_space<semaphore_mem>>) src(%dma_wait3A_16 : memref<2048xf32, #tpu.memory_space<vmem>>) dst(%dma_wait3A_14 : memref<2048xf32, #tpu.memory_space<hbm>>)
    %dma_wait3A_17 = arith.constant 0 : i32
    %dma_wait3A_18 = tpu.memref_slice %arg7[%dma_wait3A_17] : memref<8192xf32, #tpu.memory_space<vmem>> -> memref<2048xf32, #tpu.memory_space<vmem>>
    %dma_wait3A_19 = arith.constant 0 : i32
    %dma_wait3A_20 = tpu.memref_slice %arg4[%mul3A_2, %dma_wait3A_19] : memref<832x16384xf32, #tpu.memory_space<hbm>> -> memref<1x2048xf32, #tpu.memory_space<hbm>>
    %dma_wait3A_21 = tpu.memref_squeeze %dma_wait3A_20 : memref<1x2048xf32, #tpu.memory_space<hbm>> -> memref<2048xf32, #tpu.memory_space<hbm>>
    %dma_wait3A_22 = arith.constant 0 : i32
    %dma_wait3A_23 = tpu.memref_slice %arg4[%mul3A_2, %dma_wait3A_22] : memref<832x16384xf32, #tpu.memory_space<hbm>> -> memref<1x2048xf32, #tpu.memory_space<hbm>>
    %dma_wait3A_24 = tpu.memref_squeeze %dma_wait3A_23 : memref<1x2048xf32, #tpu.memory_space<hbm>> -> memref<2048xf32, #tpu.memory_space<hbm>>
    %dma_wait3A_25 = arith.constant 0 : i32
    %dma_wait3A_26 = tpu.memref_slice %arg7[%dma_wait3A_25] : memref<8192xf32, #tpu.memory_space<vmem>> -> memref<2048xf32, #tpu.memory_space<vmem>>
    tpu.wait_dma2 semaphore(%arg8 : memref<!tpu.dma_semaphore, #tpu.memory_space<semaphore_mem>>) src(%dma_wait3A_26 : memref<2048xf32, #tpu.memory_space<vmem>>) dst(%dma_wait3A_24 : memref<2048xf32, #tpu.memory_space<hbm>>)
    %dma_wait3A_27 = arith.constant 0 : i32
    %dma_wait3A_28 = tpu.memref_slice %arg7[%dma_wait3A_27] : memref<8192xf32, #tpu.memory_space<vmem>> -> memref<2048xf32, #tpu.memory_space<vmem>>
    %dma_wait3A_29 = arith.constant 0 : i32
    %dma_wait3A_30 = tpu.memref_slice %arg4[%mul3A_2, %dma_wait3A_29] : memref<832x16384xf32, #tpu.memory_space<hbm>> -> memref<1x2048xf32, #tpu.memory_space<hbm>>
    %dma_wait3A_31 = tpu.memref_squeeze %dma_wait3A_30 : memref<1x2048xf32, #tpu.memory_space<hbm>> -> memref<2048xf32, #tpu.memory_space<hbm>>
    %dma_wait3A_32 = arith.constant 0 : i32
    %dma_wait3A_33 = tpu.memref_slice %arg4[%mul3A_2, %dma_wait3A_32] : memref<832x16384xf32, #tpu.memory_space<hbm>> -> memref<1x2048xf32, #tpu.memory_space<hbm>>
    %dma_wait3A_34 = tpu.memref_squeeze %dma_wait3A_33 : memref<1x2048xf32, #tpu.memory_space<hbm>> -> memref<2048xf32, #tpu.memory_space<hbm>>
    %dma_wait3A_35 = arith.constant 0 : i32
    %dma_wait3A_36 = tpu.memref_slice %arg7[%dma_wait3A_35] : memref<8192xf32, #tpu.memory_space<vmem>> -> memref<2048xf32, #tpu.memory_space<vmem>>
    tpu.wait_dma2 semaphore(%arg8 : memref<!tpu.dma_semaphore, #tpu.memory_space<semaphore_mem>>) src(%dma_wait3A_36 : memref<2048xf32, #tpu.memory_space<vmem>>) dst(%dma_wait3A_34 : memref<2048xf32, #tpu.memory_space<hbm>>)
    %dma_wait3A_37 = arith.constant 0 : i32
    %dma_wait3A_38 = tpu.memref_slice %arg7[%dma_wait3A_37] : memref<8192xf32, #tpu.memory_space<vmem>> -> memref<2048xf32, #tpu.memory_space<vmem>>
    %dma_wait3A_39 = arith.constant 0 : i32
    %dma_wait3A_40 = tpu.memref_slice %arg4[%mul3A_2, %dma_wait3A_39] : memref<832x16384xf32, #tpu.memory_space<hbm>> -> memref<1x2048xf32, #tpu.memory_space<hbm>>
    %dma_wait3A_41 = tpu.memref_squeeze %dma_wait3A_40 : memref<1x2048xf32, #tpu.memory_space<hbm>> -> memref<2048xf32, #tpu.memory_space<hbm>>
    %dma_wait3A_42 = arith.constant 0 : i32
    %dma_wait3A_43 = tpu.memref_slice %arg4[%mul3A_2, %dma_wait3A_42] : memref<832x16384xf32, #tpu.memory_space<hbm>> -> memref<1x2048xf32, #tpu.memory_space<hbm>>
    %dma_wait3A_44 = tpu.memref_squeeze %dma_wait3A_43 : memref<1x2048xf32, #tpu.memory_space<hbm>> -> memref<2048xf32, #tpu.memory_space<hbm>>
    %dma_wait3A_45 = arith.constant 0 : i32
    %dma_wait3A_46 = tpu.memref_slice %arg7[%dma_wait3A_45] : memref<8192xf32, #tpu.memory_space<vmem>> -> memref<2048xf32, #tpu.memory_space<vmem>>
    tpu.wait_dma2 semaphore(%arg8 : memref<!tpu.dma_semaphore, #tpu.memory_space<semaphore_mem>>) src(%dma_wait3A_46 : memref<2048xf32, #tpu.memory_space<vmem>>) dst(%dma_wait3A_44 : memref<2048xf32, #tpu.memory_space<hbm>>)
    return
  }
}

</mosaic_0001>

<sc_bundles>
// kernel: kernel.3.cloned.1.call-start
scs
__scs_entry_jumppad:
0x0: {  	(pc) =	sbr.rel $0x88, $3  }
0x1: {  	(tag) =	ssettag $0x0;
	lr =	simm.s32 $0x1  }
0x2: {  	[smem:$0x3F9F] =	sst lr;
	_ =	strace $0xD0000000  }
0x3: {  	_ = 	snop  }
0x4: {  	_ = 	snop  }
0x5: {  	_ = 	snop  }
0x6: {  	_ = 	snop  }
0x7: {  	_ = 	snop  }
__scs_overlays_trampoline_lowered:
0x8: {  	[smem:$0x3FAE] =	sst s0  }
0x9: {  	[smem:$0x3FAF] =	sst s1  }
0xa: {  	[smem:$0x3FB0] =	sst s2  }
0xb: {  	[smem:$0x3FB1] =	sst s3  }
0xc: {  	[smem:$0x3FB2] =	sst s4  }
0xd: {  	[smem:$0x3FB3] =	sst s5  }
0xe: {  	[smem:$0x3FB4] =	sst s6  }
0xf: {  	[smem:$0x3FB5] =	sst s7  }
0x10: {  	[smem:$0x3FB6] =	sst s8  }
0x11: {  	[smem:$0x3FB7] =	sst s9;
	s0 =	simm.s32 @!p0 $0x0  }
0x12: {  	s1 =	sld [smem:$0x3F9D];
	s0 =	simm.s32 @p0 $0x1  }
0x13: {  	[smem:$0x3FB8] =	sst s0;
	s0 =	simm.s32 @!p1 $0x0  }
0x14: {  	s2 =	sld [smem:$0x3F9C];
	s0 =	simm.s32 @p1 $0x1  }
0x15: {  	[smem:$0x3FB9] =	sst s0;
	s0 =	simm.s32 @!p2 $0x0  }
0x16: {  	s3 =	sld [smem:$0x3FDB];
	s0 =	simm.s32 @p2 $0x1  }
0x17: {  	s4 =	simm.s32 $0x1BF5;
	[smem:$0x3FBB] =	sst s0  }
0x18: {  	s0 =	sld [smem:$0x3F9E];
	_ =	swait.ge [sflag:s4], $0x0  }
0x19: {  	s7 =	sld [smem:$0x3F9F]  }
0x1a: {  	s8 =	sadd.s32 $0xFFFFE003, lr  }
0x1b: {  	s9 =	sadd.s32 $0xFFFFFEF7, lr;
	s5 =	simm.s32 $0xFFFFFFFF;
	p2 =	slt.u32 s8, $0xFFFFF086  }
0x1c: {  	p1 =	slt.u32 s9, $0xF7A;
	s5 =	simm.s32 @!p2 $0x0  }
0x1d: {  	s5 =	simm.s32 @p1 $0x1;
	p0 =	seq.s32 s7, s2  }
0x1e: {  	s7 =	smul.u32 @!p0 $0xF7A, s2;
	p2 =	seq.s32 @!p0 s5, $0x0  }
0x1f: {  	s9 =	smul.u32 $0xF7A, s1;
	s8 =	simm.s32 @!p0 $0x1BF5;
	p2 =	por !p2, p0  }
0x20: {  	[sflag:s8] =	ssyncset.s32 @!p0 $0xFFFFF086;
	s6 =	sadd.s32 @!p0 s3, s7;
	s7 =	simm.s32 @!p0 $0x108  }
0x21: {  	s3 =	sadd.s32 s3, s9;
	s6 =	sadd.s32 @!p0 $0x88, s6;
	s7 =	simm.s32 @p2 $0x1082  }
0x22: {  	[simem:s7], [sflag:s8] =	dma.local @!p0 [hbm:s6], $0xF7A  }
0x23: {  	s9 =	sor.u32 $0xD0000000, s2;
	s6 =	simm.s32 $0x108;
	_ =	swait.ge @!p0 [sflag:s8], $0x0  }
0x24: {  	s3 =	sadd.s32 $0x88, s3;
	s6 =	simm.s32 @!p1 $0x1082;
	[sflag:s4] =	ssyncset.s32 $0xFFFFF086  }
0x25: {  	[simem:s6], [sflag:s4] =	dma.local [hbm:s3], $0xF7A  }
0x26: {  	[smem:$0x3F9F] =	sst s1;
	(tag) =	ssettag s2;
	_ =	strace s9  }
0x27: {  	s1 =	sld [smem:$0x3FAF]  }
0x28: {  	s2 =	sld [smem:$0x3FB0]  }
0x29: {  	s4 =	sld [smem:$0x3FB2]  }
0x2a: {  	p0 =	seq.s32 s5, $0x0;
	s5 =	sld [smem:$0x3FB3]  }
0x2b: {  	s6 =	sld [smem:$0x3FB4]  }
0x2c: {  	s7 =	sld [smem:$0x3FB5]  }
0x2d: {  	s3 =	simm.s32 $0x108;
	s8 =	sld [smem:$0x3FB6]  }
0x2e: {  	s3 =	simm.s32 @!p0 $0x1082;
	s9 =	sld [smem:$0x3FB7]  }
0x2f: {  	lr =	sadd.s32 s0, s3;
	s0 =	sld [smem:$0x3FAE]  }
0x30: {  	s3 =	sld [smem:$0x3FB1]  }
0x31: {  	[smem:$0x3FBA] =	sst s10  }
0x32: {  	s10 =	sld [smem:$0x3FB8];
	_ =	sdelay $0x3  }
0x33: {  	p0 =	seq.s32 s10, $0x1;
	s10 =	sld [smem:$0x3FBA];
	_ =	sdelay $0x3  }
0x34: {  	[smem:$0x3FBA] =	sst s10  }
0x35: {  	s10 =	sld [smem:$0x3FB9];
	_ =	sdelay $0x3  }
0x36: {  	p1 =	seq.s32 s10, $0x1;
	s10 =	sld [smem:$0x3FBA];
	_ =	sdelay $0x3  }
0x37: {  	[smem:$0x3FBA] =	sst s10  }
0x38: {  	s10 =	sld [smem:$0x3FBB]  }
0x39: {  	_ = 	snop;
	(pc) =	sbr.ind lr, $3  }
0x3a: {  	_ = 	snop  }
0x3b: {  	_ = 	snop  }
0x3c: {  	p2 =	seq.s32 s10, $0x1;
	s10 =	sld [smem:$0x3FBA]  }
0x3d: {  	_ =	shalt  }
0x3e: {  	_ =	shalt  }
0x3f: {  	_ =	shalt  }
0x40: {  	_ =	shalt  }
0x41: {  	_ =	shalt  }
0x42: {  	_ =	shalt  }
0x43: {  	_ =	shalt  }
0x44: {  	_ =	shalt  }
0x45: {  	_ =	shalt  }
0x46: {  	_ =	shalt  }
0x47: {  	_ =	shalt  }
0x48: {  	_ =	shalt  }
0x49: {  	_ =	shalt  }
0x4a: {  	_ =	shalt  }
0x4b: {  	_ =	shalt  }
0x4c: {  	_ =	shalt  }
0x4d: {  	_ =	shalt  }
0x4e: {  	_ =	shalt  }
0x4f: {  	_ =	shalt  }
0x50: {  	_ =	shalt  }
0x51: {  	_ =	shalt  }
0x52: {  	_ =	shalt  }
0x53: {  	_ =	shalt  }
0x54: {  	_ =	shalt  }
0x55: {  	_ =	shalt  }
0x56: {  	_ =	shalt  }
0x57: {  	_ =	shalt  }
0x58: {  	_ =	shalt  }
0x59: {  	_ =	shalt  }
0x5a: {  	_ =	shalt  }
0x5b: {  	_ =	shalt  }
0x5c: {  	_ =	shalt  }
0x5d: {  	_ =	shalt  }
0x5e: {  	_ =	shalt  }
0x5f: {  	_ =	shalt  }
0x60: {  	_ =	shalt  }
0x61: {  	_ =	shalt  }
0x62: {  	_ =	shalt  }
0x63: {  	_ =	shalt  }
0x64: {  	_ =	shalt  }
0x65: {  	_ =	shalt  }
0x66: {  	_ =	shalt  }
0x67: {  	_ =	shalt  }
0x68: {  	_ =	shalt  }
0x69: {  	_ =	shalt  }
0x6a: {  	_ =	shalt  }
0x6b: {  	_ =	shalt  }
0x6c: {  	_ =	shalt  }
0x6d: {  	_ =	shalt  }
0x6e: {  	_ =	shalt  }
0x6f: {  	_ =	shalt  }
0x70: {  	_ =	shalt  }
0x71: {  	_ =	shalt  }
0x72: {  	_ =	shalt  }
0x73: {  	_ =	shalt  }
0x74: {  	_ =	shalt  }
0x75: {  	_ =	shalt  }
0x76: {  	_ =	shalt  }
0x77: {  	_ =	shalt  }
0x78: {  	_ =	shalt  }
0x79: {  	_ =	shalt  }
0x7a: {  	_ =	shalt  }
0x7b: {  	_ =	shalt  }
0x7c: {  	_ =	shalt  }
0x7d: {  	_ =	shalt  }
0x7e: {  	_ =	shalt  }
0x7f: {  	_ =	shalt  }
0x80: {  	_ =	shalt  }
0x81: {  	_ =	shalt  }
0x82: {  	_ =	shalt  }
0x83: {  	_ =	shalt  }
0x84: {  	_ =	shalt  }
0x85: {  	_ =	shalt  }
0x86: {  	_ =	shalt  }
0x87: {  	_ =	shalt  }
.Lfunc_end0:
.L_simem_size_0:
called_computation_lowered:
.L_overlay_start_0:
0x88: {  	s2 =	sld [smem:$0x3FD9]  }
0x89: {  	s3 =	sld [smem:$0x3FFE];
	_ =	sdelay $0x1  }
0x8a: {  	s1 =	srdreg.scid  }
0x8b: {  	s0 =	sand.u32 $0x1, s1  }
0x8c: {  	s18 =	sshll.u32 s0, $0xA;
	s2 =	sadd.s32 s3, s2  }
0x8d: {  	s2 =	sadd.s32 s2, s18  }
0x8e: {  	[smem:$0x3FC6] =	sst s2  }
0x8f: {  	_ = 	snop  }
0x90: {  	s2 =	sld [smem:$0x3FC9]  }
0x91: {  	s19 =	sld [smem:$0x3FC8]  }
0x92: {  	s4 =	sld [smem:$0x3FD0];
	(tm) =	ssettm $0x1  }
0x93: {  	s5 =	sld [smem:$0x3FFB];
	_ =	sdelay $0x3  }
0x94: {  	_ =	strace s5  }
0x95: {  	s5 =	sld [smem:$0x3FFC];
	_ =	sdelay $0x3  }
0x96: {  	_ =	strace s5  }
0x97: {  	s5 =	sld [smem:$0x3FFD];
	_ =	sdelay $0x3  }
0x98: {  	_ =	strace s5  }
0x99: {  	_ =	strace $0x8FFFFFFF  }
0x9a: {  	s20 =	sld [smem:$0x3FDB];
	_ =	sdelay $0x1  }
0x9b: {  	s6 =	simm.s32 $_scs_section_size  }
0x9c: {  	s7 =	simm.s32 $_size__tile_overlayer_lowered;
	s8 =	simm.s32 $_tile_overlayer_lowered  }
0x9d: {  	s23 =	simm.s32 $0x1BFF;
	s22 =	sshll.u32 s8, $0x1;
	s5 =	sadd.s32 s6, s20  }
0x9e: {  	s9 =	simm.s32 $0x0;
	s21 =	sshll.u32 s7, $0x1;
	s7 =	sadd.s32 s22, s5  }
0x9f: {  	[timem:s9], [sflag:s23] =	dma.local [hbm:s7], s21  }
0xa0: {  	_ =	swait.ge [sflag:s23], s21  }
0xa1: {  	s6 =	ssub.s32 $0x0, s21;
	[sflag:s23] =	ssyncset.done $0x0  }
0xa2: {  	[sflag:s23] =	ssyncadd.s32 s6;
	_ =	sdelay $0x1  }
0xa3: {  	s24 =	simm.s32 $0x1B8B  }
0xa4: {  	_ =	swait.ge [sflag:s24], $0x1  }
0xa5: {  	[sflag:s24] =	ssyncset.done $0x0  }
0xa6: {  	s25 =	simm.s32 $0x1B8E;
	[sflag:s24] =	ssyncadd.s32 $0xFFFFFFFF  }
0xa7: {  	s26 =	simm.s32 $execute0_lowered;
	[smem:$0x3FD2] =	sst s25  }
0xa8: {  	s6 =	sshll.u32 s26, $0x1;
	_ =	strace $0x80000046;
	[dreg:$0x1] =	wrdreg $0xFFFFFFFF  }
0xa9: {  	s28 =	simm.s32 $_size_execute0_lowered;
	s5 =	sadd.s32 s5, s6;
	[dreg:$0x0] =	wrdreg $0x0  }
0xaa: {  	s6 =	sshll.u32 s28, $0x1;
	[dreg:$0x2] =	wrdreg s5  }
0xab: {  	[dreg:$0x3] =	wrdreg s6  }
0xac: {  	[dreg:$0x4] =	wrdreg $0xC0  }
0xad: {  	_ =	task [dreg:s9], $0x5FFFF  }
0xae: {  	[dreg:$0x1] =	wrdreg $0xFFFFFFFF  }
0xaf: {  	[dreg:$0x0] =	wrdreg $0x60  }
0xb0: {  	[dreg:$0x2] =	wrdreg s2  }
0xb1: {  	[dreg:$0x3] =	wrdreg s19  }
0xb2: {  	[dreg:$0x4] =	wrdreg s4  }
0xb3: {  	[dreg:$0x5] =	wrdreg $0x9  }
0xb4: {  	_ =	task.clear_ibuf [dreg:s9], $0x6FFFF;
	_ =	strace $0x90000046  }
0xb5: {  	s29 =	simm.s32 $0x9;
	_ =	strace $0x80000048  }
0xb6: {  	_ =	swait.ge [sflag:s29], $0x1  }
0xb7: {  	[sflag:s29] =	ssyncadd.s32 $0xFFFFFFFF  }
0xb8: {  	_ =	strace $0x90000048  }
0xb9: {  	_ =	sfence  }
0xba: {  	s30 =	sld [smem:$0x0];
	_ =	sdelay $0x2  }
0xbb: {  	s31 =	sshll.u32 s1, $0xD;
	s1 =	sshrl.u32 s1, $0x2  }
0xbc: {  	s3 =	sand.u32 $0x4000, s31;
	s1 =	sadd.s32 s1, s30  }
0xbd: {  	s0 =	sor.u32 s3, s0;
	s1 =	sshll.u32 s1, $0x11  }
0xbe: {  	s0 =	sor.u32 s1, s0  }
0xbf: {  	s0 =	sadd.s32 $0x8F2B, s0  }
0xc0: {  	[sflag:s0] =	ssyncadd.remote.s32 $0x1  }
0xc1: {  	_ =	sfence.sel $0xFFFF  }
0xc2: {  	[dreg:$0x0] =	wrdreg $0xFFFFFFFF;
	(pc) =	sbr.abs _section_cstart, $3  }
0xc3: {  	[dreg:$0x1] =	wrdreg $0xFFFFFFFF  }
0xc4: {  	_ =	task.clear_ibuf [dreg:s9], $0x2FFFF;
	_ =	strace $0x9FFFFFFF  }
0xc5: {  	(tm) =	ssettm $0x7FFFFFFF  }
tec
execute0_lowered:
.L_overlay_start_1:
0x0: {  	(tag) =	ssettag $0x1  }
0x1: {  	s1 =	rddreg [dreg:$0x0]  }
0x2: {  	s3 =	rddreg [dreg:$0x1]  }
0x3: {  	s4 =	rddreg [dreg:$0x2];
	s5 =	srdreg.scid  }
0x4: {  	s0 =	rddreg [dreg:$0x3];
	s2 =	stileid.u32;
	s15 =	simm.s32 $0x80  }
0x5: {  	s16 =	simm.s32 $0x400;
	s17 =	simm.s32 $0x18700;
	s18 =	simm.s32 $0x2  }
0x6: {  	s19 =	simm.s32 $0x1C700;
	s20 =	simm.s32 $0x1CF00;
	s21 =	simm.s32 $0x1D700  }
0x7: {  	s22 =	simm.s32 $0x1DF00;
	s23 =	simm.s32 $0x1;
	s24 =	simm.s32 $0x0  }
0x8: {  	s6 =	sand.u32 $0x1, s5;
	s5 =	simm.s32 $0x0;
	s8 =	sshll.u32 s2, $0x1  }
0x9: {  	s10 =	sadd.s32 $0x2000, s4;
	s11 =	sadd.s32 $0x2800, s4;
	s12 =	sadd.s32 $0x3000, s4  }
0xa: {  	s13 =	sadd.s32 $0x3800, s4;
	s7 =	ssub.s32 $0x2, s6;
	[smem:$0x7FF] =	sst s5  }
0xb: {  	s6 =	sor.u32 s6, s8;
	s8 =	sadd.s32 $0x1000, s4;
	s9 =	sshrl.u32 s7, $0x1  }
0xc: {  	_ =	strace $0x80000047;
	s6 =	smul.u32 $0x1A, s6;
	s14 =	ssub.s32 s7, s9  }
0xd: {  	s7 =	sadd.s32 $0x800, s4;
	s9 =	sadd.s32 $0x1800, s4;
	s14 =	smax.u32 s14, $0x1  }
.LBB2_1:
0xe: {  	s25 =	simm.s32 $0x0  }
.LBB2_2:
0xf: {  	s28 =	sadd.s32 s6, s25  }
0x10: {  	p0 =	seq.s32 s25, $0x0;
	s26 =	sand.u32 $0x1F, s28  }
0x11: {  	p1 =	sne.s32 @!p0 s26, $0x0  }
0x12: {  	p1 =	por p0, !p1  }
0x13: {  	s26 =	sshrl.u32 @p1 s28, $0x1  }
0x14: {  	s29 =	sshll.u32 @p1 s28, $0x6;
	s26 =	sand.u32 @p1 $0x70, s26  }
0x15: {  	s29 =	sand.u32 @p1 $0xFFFC000, s29;
	s26 =	sadd.s32 @p1 s1, s26  }
0x16: {  	s26 =	sadd.s32 @p1 s29, s26  }
0x17: {  	[tilespmem:s17], [sflag:$0x2] =	stream.strided.gather @p1 [hbm4b:s26+s15], $0x4000, s16, s15, $0x38;
	[tilespmem:$0x1E700] =	vst v63  }
0x18: {  	s26 =	sshrl.u32 s28, $0x3  }
0x19: {  	s28 =	sshll.u32 s28, $0x7;
	s29 =	smul.u32 $0xC3800, s26  }
0x1a: {  	s28 =	sand.u32 $0x380, s28  }
0x1b: {  	_ =	swait.ge @p1 [sflag:s18], $0x4000;
	s29 =	sor.u32 s28, s29  }
0x1c: {  	[sflag:s18] =	ssyncset.done @p1 $0x0;
	s29 =	sshrl.u32 s29, $0x3  }
0x1d: {  	[sflag:s18] =	ssyncadd.s32 @p1 $0xFFFFC000;
	s29 =	sadd.s32 s3, s29  }
0x1e: {  	[tilespmem:s5], [sflag:$0x2] =	stream.strided.gather [hbm4b:s29+s15], $0x18700, s16, s15, $0x38;
	[tilespmem:$0x1E700] =	vst v63  }
0x1f: {  	_ =	swait.ge [sflag:s18], $0x18700  }
0x20: {  	[sflag:s18] =	ssyncset.done $0x0  }
0x21: {  	s29 =	simm.s32 @!p0 $0x1;
	[sflag:s18] =	ssyncadd.s32 $0xFFFE7900  }
0x22: {  	_ =	swait.ge @!p0 [sflag:s29], $0x800  }
0x23: {  	[sflag:s29] =	ssyncset.done @!p0 $0x0  }
0x24: {  	[sflag:s29] =	ssyncadd.s32 @!p0 $0xFFFFF800;
	s29 =	simm.s32 $0x18780  }
0x25: {  	v0 =	vld [tilespmem:s29+$0x70]  }
0x26: {  	v1 =	vld [tilespmem:s29+$0xFFFFFF90]  }
0x27: {  	v2 =	vld [tilespmem:s29+$0xFFFFFFA0]  }
0x28: {  	v3 =	vld [tilespmem:s29+$0xFFFFFFB0]  }
0x29: {  	v4 =	vld [tilespmem:s29+$0xFFFFFFC0]  }
0x2a: {  	v5 =	vld [tilespmem:s29+$0xFFFFFFD0]  }
0x2b: {  	v6 =	vld [tilespmem:s29+$0xFFFFFFE0]  }
0x2c: {  	v7 =	vld [tilespmem:s29+$0xFFFFFFF0]  }
0x2d: {  	v8 =	vld [tilespmem:s29+$0x0]  }
0x2e: {  	v9 =	vld [tilespmem:s29+$0x10]  }
0x2f: {  	v10 =	vld [tilespmem:s29+$0x20]  }
0x30: {  	v11 =	vld [tilespmem:s29+$0x30]  }
0x31: {  	v12 =	vld [tilespmem:s29+$0x40]  }
0x32: {  	v13 =	vld [tilespmem:s29+$0x50]  }
0x33: {  	v14 =	vld [tilespmem:s29+$0x60]  }
0x34: {  	v15 =	vld [tilespmem:s29+$0xFFFFFF80]  }
0x35: {  	v0 =	vld.idx.msk [tilespmem:v0+s5+$0x0], $0xffff  }
0x36: {  	v1 =	vld.idx.msk [tilespmem:v1+s5+$0x0], $0xffff  }
0x37: {  	v2 =	vld.idx.msk [tilespmem:v2+s5+$0x0], $0xffff  }
0x38: {  	v3 =	vld.idx.msk [tilespmem:v3+s5+$0x0], $0xffff  }
0x39: {  	v4 =	vld.idx.msk [tilespmem:v4+s5+$0x0], $0xffff  }
0x3a: {  	s29 =	simm.s32 $0x1C780;
	v5 =	vld.idx.msk [tilespmem:v5+s5+$0x0], $0xffff  }
0x3b: {  	v6 =	vld.idx.msk [tilespmem:v6+s5+$0x0], $0xffff;
	[tilespmem:s29+$0x70] =	vst v0  }
0x3c: {  	v7 =	vld.idx.msk [tilespmem:v7+s5+$0x0], $0xffff;
	[tilespmem:s29+$0xFFFFFF90] =	vst v1  }
0x3d: {  	v15 =	vld.idx.msk [tilespmem:v15+s5+$0x0], $0xffff;
	[tilespmem:s29+$0xFFFFFFA0] =	vst v2  }
0x3e: {  	v8 =	vld.idx.msk [tilespmem:v8+s5+$0x0], $0xffff;
	[tilespmem:s29+$0xFFFFFFB0] =	vst v3  }
0x3f: {  	[tilespmem:s29+$0xFFFFFFC0] =	vst v4;
	v0 =	vld.idx.msk [tilespmem:v9+s5+$0x0], $0xffff  }
0x40: {  	[tilespmem:s29+$0xFFFFFFD0] =	vst v5;
	v1 =	vld.idx.msk [tilespmem:v10+s5+$0x0], $0xffff  }
0x41: {  	[tilespmem:s29+$0xFFFFFFE0] =	vst v6;
	v2 =	vld.idx.msk [tilespmem:v11+s5+$0x0], $0xffff  }
0x42: {  	[tilespmem:s29+$0xFFFFFFF0] =	vst v7;
	v3 =	vld.idx.msk [tilespmem:v12+s5+$0x0], $0xffff  }
0x43: {  	[tilespmem:s29+$0xFFFFFF80] =	vst v15;
	v4 =	vld.idx.msk [tilespmem:v13+s5+$0x0], $0xffff  }
0x44: {  	s30 =	simm.s32 $0x0;
	s31 =	simm.s32 $0x18880;
	[tilespmem:s29+$0x0] =	vst v8;
	v5 =	vld.idx.msk [tilespmem:v14+s5+$0x0], $0xffff  }
.LBB2_3:
0x45: {  	v6 =	vld [tilespmem:s31+$0x70];
	s30 =	sadd.s32 $0x10, s30;
	[tilespmem:s29+$0x10] =	vst v0  }
0x46: {  	v0 =	vld [tilespmem:s31+$0xFFFFFF90];
	p1 =	slt.u32 s30, $0x70;
	[tilespmem:s29+$0x20] =	vst v1  }
0x47: {  	v1 =	vld [tilespmem:s31+$0xFFFFFFA0];
	[tilespmem:s29+$0x30] =	vst v2  }
0x48: {  	v2 =	vld [tilespmem:s31+$0xFFFFFFB0];
	[tilespmem:s29+$0x40] =	vst v3  }
0x49: {  	v3 =	vld [tilespmem:s31+$0xFFFFFFC0];
	[tilespmem:s29+$0x50] =	vst v4  }
0x4a: {  	v4 =	vld [tilespmem:s31+$0xFFFFFFD0];
	[tilespmem:s29+$0x60] =	vst v5  }
0x4b: {  	v5 =	vld [tilespmem:s31+$0xFFFFFFE0]  }
0x4c: {  	v7 =	vld [tilespmem:s31+$0xFFFFFFF0]  }
0x4d: {  	v6 =	vld.idx.msk [tilespmem:v6+s5+$0x0], $0xffff  }
0x4e: {  	v8 =	vld [tilespmem:s31+$0x0]  }
0x4f: {  	v9 =	vld [tilespmem:s31+$0x10]  }
0x50: {  	v10 =	vld [tilespmem:s31+$0x20]  }
0x51: {  	v11 =	vld [tilespmem:s31+$0x30]  }
0x52: {  	s29 =	sadd.s32 $0x100, s29;
	v12 =	vld [tilespmem:s31+$0x40]  }
0x53: {  	v13 =	vld [tilespmem:s31+$0x50];
	[tilespmem:s29+$0x70] =	vst v6  }
0x54: {  	v6 =	vld [tilespmem:s31+$0x60]  }
0x55: {  	v14 =	vld [tilespmem:s31+$0xFFFFFF80]  }
0x56: {  	v0 =	vld.idx.msk [tilespmem:v0+s5+$0x0], $0xffff  }
0x57: {  	v1 =	vld.idx.msk [tilespmem:v1+s5+$0x0], $0xffff  }
0x58: {  	v2 =	vld.idx.msk [tilespmem:v2+s5+$0x0], $0xffff  }
0x59: {  	v3 =	vld.idx.msk [tilespmem:v3+s5+$0x0], $0xffff  }
0x5a: {  	v4 =	vld.idx.msk [tilespmem:v4+s5+$0x0], $0xffff  }
0x5b: {  	v5 =	vld.idx.msk [tilespmem:v5+s5+$0x0], $0xffff  }
0x5c: {  	[tilespmem:s29+$0xFFFFFF90] =	vst v0;
	v7 =	vld.idx.msk [tilespmem:v7+s5+$0x0], $0xffff  }
0x5d: {  	v14 =	vld.idx.msk [tilespmem:v14+s5+$0x0], $0xffff;
	[tilespmem:s29+$0xFFFFFFA0] =	vst v1  }
0x5e: {  	[tilespmem:s29+$0xFFFFFFB0] =	vst v2;
	v8 =	vld.idx.msk [tilespmem:v8+s5+$0x0], $0xffff  }
0x5f: {  	[tilespmem:s29+$0xFFFFFFC0] =	vst v3;
	v0 =	vld.idx.msk [tilespmem:v9+s5+$0x0], $0xffff  }
.Ltmp0:
0x60: {  	[tilespmem:s29+$0xFFFFFFD0] =	vst v4;
	v1 =	vld.idx.msk [tilespmem:v10+s5+$0x0], $0xffff;
	(pc) =	sbr.rel @p1 .LBB2_3-.Ltmp0, $4  }
0x61: {  	[tilespmem:s29+$0xFFFFFFE0] =	vst v5;
	v2 =	vld.idx.msk [tilespmem:v11+s5+$0x0], $0xffff  }
0x62: {  	[tilespmem:s29+$0xFFFFFFF0] =	vst v7;
	v3 =	vld.idx.msk [tilespmem:v12+s5+$0x0], $0xffff  }
0x63: {  	[tilespmem:s29+$0xFFFFFF80] =	vst v14;
	v4 =	vld.idx.msk [tilespmem:v13+s5+$0x0], $0xffff  }
0x64: {  	s31 =	sadd.s32 $0x100, s31;
	[tilespmem:s29+$0x0] =	vst v8;
	v5 =	vld.idx.msk [tilespmem:v6+s5+$0x0], $0xffff  }
0x65: {  	[tilespmem:s29+$0x10] =	vst v0  }
0x66: {  	[tilespmem:s29+$0x20] =	vst v1  }
0x67: {  	s26 =	sshll.u32 s26, $0x11;
	[tilespmem:s29+$0x30] =	vst v2  }
0x68: {  	s26 =	sor.u32 s28, s26;
	[tilespmem:s29+$0x40] =	vst v3  }
0x69: {  	s26 =	sshrl.u32 s26, $0x3;
	[tilespmem:s29+$0x50] =	vst v4  }
0x6a: {  	s28 =	sadd.s32 s4, s26;
	[tilespmem:s29+$0x60] =	vst v5  }
0x6b: {  	[hbm4b:s28+s15] =	stream.strided.scatter [tilespmem:s19], [sflag:$0x1], $0x800, s16, s15, $0x38;
	[tilespmem:$0x1E700] =	vst v63  }
0x6c: {  	s28 =	simm.s32 @!p0 $0x1  }
0x6d: {  	_ =	swait.ge @!p0 [sflag:s28], $0x800  }
0x6e: {  	[sflag:s28] =	ssyncset.done @!p0 $0x0  }
0x6f: {  	[sflag:s28] =	ssyncadd.s32 @!p0 $0xFFFFF800;
	s28 =	simm.s32 $0x18FF0  }
0x70: {  	v0 =	vld [tilespmem:s28+$0x0]  }
0x71: {  	v1 =	vld [tilespmem:s28+$0xFFFFFF20]  }
0x72: {  	v2 =	vld [tilespmem:s28+$0xFFFFFF30]  }
0x73: {  	v3 =	vld [tilespmem:s28+$0xFFFFFF40]  }
0x74: {  	v4 =	vld [tilespmem:s28+$0xFFFFFF50]  }
0x75: {  	v5 =	vld [tilespmem:s28+$0xFFFFFF60]  }
0x76: {  	v6 =	vld [tilespmem:s28+$0xFFFFFF70]  }
0x77: {  	v7 =	vld [tilespmem:s28+$0xFFFFFF80]  }
0x78: {  	v8 =	vld [tilespmem:s28+$0xFFFFFF90]  }
0x79: {  	v9 =	vld [tilespmem:s28+$0xFFFFFFA0]  }
0x7a: {  	v10 =	vld [tilespmem:s28+$0xFFFFFFB0]  }
0x7b: {  	v11 =	vld [tilespmem:s28+$0xFFFFFFC0]  }
0x7c: {  	v12 =	vld [tilespmem:s28+$0xFFFFFFD0]  }
0x7d: {  	v13 =	vld [tilespmem:s28+$0xFFFFFFE0]  }
0x7e: {  	v14 =	vld [tilespmem:s28+$0xFFFFFFF0]  }
0x7f: {  	v15 =	vld [tilespmem:s28+$0xFFFFFF10]  }
0x80: {  	v0 =	vld.idx.msk [tilespmem:v0+s5+$0x0], $0xffff  }
0x81: {  	v1 =	vld.idx.msk [tilespmem:v1+s5+$0x0], $0xffff  }
0x82: {  	v2 =	vld.idx.msk [tilespmem:v2+s5+$0x0], $0xffff  }
0x83: {  	v3 =	vld.idx.msk [tilespmem:v3+s5+$0x0], $0xffff  }
0x84: {  	v4 =	vld.idx.msk [tilespmem:v4+s5+$0x0], $0xffff  }
0x85: {  	s28 =	simm.s32 $0x1CFF0;
	v5 =	vld.idx.msk [tilespmem:v5+s5+$0x0], $0xffff  }
0x86: {  	v6 =	vld.idx.msk [tilespmem:v6+s5+$0x0], $0xffff;
	[tilespmem:s28+$0x0] =	vst v0  }
0x87: {  	v7 =	vld.idx.msk [tilespmem:v7+s5+$0x0], $0xffff;
	[tilespmem:s28+$0xFFFFFF20] =	vst v1  }
0x88: {  	v15 =	vld.idx.msk [tilespmem:v15+s5+$0x0], $0xffff;
	[tilespmem:s28+$0xFFFFFF30] =	vst v2  }
0x89: {  	v8 =	vld.idx.msk [tilespmem:v8+s5+$0x0], $0xffff;
	[tilespmem:s28+$0xFFFFFF40] =	vst v3  }
0x8a: {  	[tilespmem:s28+$0xFFFFFF50] =	vst v4;
	v0 =	vld.idx.msk [tilespmem:v9+s5+$0x0], $0xffff  }
0x8b: {  	[tilespmem:s28+$0xFFFFFF60] =	vst v5;
	v1 =	vld.idx.msk [tilespmem:v10+s5+$0x0], $0xffff  }
0x8c: {  	[tilespmem:s28+$0xFFFFFF70] =	vst v6;
	v2 =	vld.idx.msk [tilespmem:v11+s5+$0x0], $0xffff  }
0x8d: {  	[tilespmem:s28+$0xFFFFFF80] =	vst v7;
	v3 =	vld.idx.msk [tilespmem:v12+s5+$0x0], $0xffff  }
0x8e: {  	[tilespmem:s28+$0xFFFFFF10] =	vst v15;
	v4 =	vld.idx.msk [tilespmem:v13+s5+$0x0], $0xffff  }
0x8f: {  	s30 =	simm.s32 $0x190F0;
	s29 =	simm.s32 $0x0;
	[tilespmem:s28+$0xFFFFFF90] =	vst v8;
	v5 =	vld.idx.msk [tilespmem:v14+s5+$0x0], $0xffff  }
.LBB2_5:
0x90: {  	v6 =	vld [tilespmem:s30+$0x0];
	s29 =	sadd.s32 $0x10, s29;
	[tilespmem:s28+$0xFFFFFFA0] =	vst v0  }
0x91: {  	v0 =	vld [tilespmem:s30+$0xFFFFFF20];
	p1 =	slt.u32 s29, $0x70;
	[tilespmem:s28+$0xFFFFFFB0] =	vst v1  }
0x92: {  	v1 =	vld [tilespmem:s30+$0xFFFFFF30];
	[tilespmem:s28+$0xFFFFFFC0] =	vst v2  }
0x93: {  	v2 =	vld [tilespmem:s30+$0xFFFFFF40];
	[tilespmem:s28+$0xFFFFFFD0] =	vst v3  }
0x94: {  	v3 =	vld [tilespmem:s30+$0xFFFFFF50];
	[tilespmem:s28+$0xFFFFFFE0] =	vst v4  }
0x95: {  	v4 =	vld [tilespmem:s30+$0xFFFFFF60];
	[tilespmem:s28+$0xFFFFFFF0] =	vst v5  }
0x96: {  	v5 =	vld [tilespmem:s30+$0xFFFFFF70]  }
0x97: {  	v7 =	vld [tilespmem:s30+$0xFFFFFF80]  }
0x98: {  	v6 =	vld.idx.msk [tilespmem:v6+s5+$0x0], $0xffff  }
0x99: {  	v8 =	vld [tilespmem:s30+$0xFFFFFF90]  }
0x9a: {  	v9 =	vld [tilespmem:s30+$0xFFFFFFA0]  }
0x9b: {  	v10 =	vld [tilespmem:s30+$0xFFFFFFB0]  }
0x9c: {  	v11 =	vld [tilespmem:s30+$0xFFFFFFC0]  }
0x9d: {  	s28 =	sadd.s32 $0x100, s28;
	v12 =	vld [tilespmem:s30+$0xFFFFFFD0]  }
0x9e: {  	v13 =	vld [tilespmem:s30+$0xFFFFFFE0];
	[tilespmem:s28+$0x0] =	vst v6  }
0x9f: {  	v6 =	vld [tilespmem:s30+$0xFFFFFFF0]  }
0xa0: {  	v14 =	vld [tilespmem:s30+$0xFFFFFF10]  }
0xa1: {  	v0 =	vld.idx.msk [tilespmem:v0+s5+$0x0], $0xffff  }
0xa2: {  	v1 =	vld.idx.msk [tilespmem:v1+s5+$0x0], $0xffff  }
0xa3: {  	v2 =	vld.idx.msk [tilespmem:v2+s5+$0x0], $0xffff  }
0xa4: {  	v3 =	vld.idx.msk [tilespmem:v3+s5+$0x0], $0xffff  }
0xa5: {  	v4 =	vld.idx.msk [tilespmem:v4+s5+$0x0], $0xffff  }
0xa6: {  	v5 =	vld.idx.msk [tilespmem:v5+s5+$0x0], $0xffff  }
0xa7: {  	[tilespmem:s28+$0xFFFFFF20] =	vst v0;
	v7 =	vld.idx.msk [tilespmem:v7+s5+$0x0], $0xffff  }
0xa8: {  	v14 =	vld.idx.msk [tilespmem:v14+s5+$0x0], $0xffff;
	[tilespmem:s28+$0xFFFFFF30] =	vst v1  }
0xa9: {  	[tilespmem:s28+$0xFFFFFF40] =	vst v2;
	v8 =	vld.idx.msk [tilespmem:v8+s5+$0x0], $0xffff  }
0xaa: {  	[tilespmem:s28+$0xFFFFFF50] =	vst v3;
	v0 =	vld.idx.msk [tilespmem:v9+s5+$0x0], $0xffff  }
.Ltmp1:
0xab: {  	[tilespmem:s28+$0xFFFFFF60] =	vst v4;
	v1 =	vld.idx.msk [tilespmem:v10+s5+$0x0], $0xffff;
	(pc) =	sbr.rel @p1 .LBB2_5-.Ltmp1, $4  }
0xac: {  	[tilespmem:s28+$0xFFFFFF70] =	vst v5;
	v2 =	vld.idx.msk [tilespmem:v11+s5+$0x0], $0xffff  }
0xad: {  	[tilespmem:s28+$0xFFFFFF80] =	vst v7;
	v3 =	vld.idx.msk [tilespmem:v12+s5+$0x0], $0xffff  }
0xae: {  	[tilespmem:s28+$0xFFFFFF10] =	vst v14;
	v4 =	vld.idx.msk [tilespmem:v13+s5+$0x0], $0xffff  }
0xaf: {  	s30 =	sadd.s32 $0x100, s30;
	[tilespmem:s28+$0xFFFFFF90] =	vst v8;
	v5 =	vld.idx.msk [tilespmem:v6+s5+$0x0], $0xffff  }
0xb0: {  	[tilespmem:s28+$0xFFFFFFA0] =	vst v0  }
0xb1: {  	[tilespmem:s28+$0xFFFFFFB0] =	vst v1  }
0xb2: {  	[tilespmem:s28+$0xFFFFFFC0] =	vst v2  }
0xb3: {  	[tilespmem:s28+$0xFFFFFFD0] =	vst v3  }
0xb4: {  	[tilespmem:s28+$0xFFFFFFE0] =	vst v4  }
0xb5: {  	[tilespmem:s28+$0xFFFFFFF0] =	vst v5;
	s28 =	sadd.s32 s26, s7  }
0xb6: {  	[hbm4b:s28+s15] =	stream.strided.scatter [tilespmem:s20], [sflag:$0x1], $0x800, s16, s15, $0x38;
	[tilespmem:$0x1E700] =	vst v63  }
0xb7: {  	s28 =	simm.s32 @!p0 $0x1  }
0xb8: {  	_ =	swait.ge @!p0 [sflag:s28], $0x800  }
0xb9: {  	[sflag:s28] =	ssyncset.done @!p0 $0x0  }
0xba: {  	[sflag:s28] =	ssyncadd.s32 @!p0 $0xFFFFF800;
	s28 =	simm.s32 $0x197F0  }
0xbb: {  	v0 =	vld [tilespmem:s28+$0x0]  }
0xbc: {  	v1 =	vld [tilespmem:s28+$0xFFFFFF20]  }
0xbd: {  	v2 =	vld [tilespmem:s28+$0xFFFFFF30]  }
0xbe: {  	v3 =	vld [tilespmem:s28+$0xFFFFFF40]  }
0xbf: {  	v4 =	vld [tilespmem:s28+$0xFFFFFF50]  }
0xc0: {  	v5 =	vld [tilespmem:s28+$0xFFFFFF60]  }
0xc1: {  	v6 =	vld [tilespmem:s28+$0xFFFFFF70]  }
0xc2: {  	v7 =	vld [tilespmem:s28+$0xFFFFFF80]  }
0xc3: {  	v8 =	vld [tilespmem:s28+$0xFFFFFF90]  }
0xc4: {  	v9 =	vld [tilespmem:s28+$0xFFFFFFA0]  }
0xc5: {  	v10 =	vld [tilespmem:s28+$0xFFFFFFB0]  }
0xc6: {  	v11 =	vld [tilespmem:s28+$0xFFFFFFC0]  }
0xc7: {  	v12 =	vld [tilespmem:s28+$0xFFFFFFD0]  }
0xc8: {  	v13 =	vld [tilespmem:s28+$0xFFFFFFE0]  }
0xc9: {  	v14 =	vld [tilespmem:s28+$0xFFFFFFF0]  }
0xca: {  	v15 =	vld [tilespmem:s28+$0xFFFFFF10]  }
0xcb: {  	v0 =	vld.idx.msk [tilespmem:v0+s5+$0x0], $0xffff  }
0xcc: {  	v1 =	vld.idx.msk [tilespmem:v1+s5+$0x0], $0xffff  }
0xcd: {  	v2 =	vld.idx.msk [tilespmem:v2+s5+$0x0], $0xffff  }
0xce: {  	v3 =	vld.idx.msk [tilespmem:v3+s5+$0x0], $0xffff  }
0xcf: {  	v4 =	vld.idx.msk [tilespmem:v4+s5+$0x0], $0xffff  }
0xd0: {  	s28 =	simm.s32 $0x1D7F0;
	v5 =	vld.idx.msk [tilespmem:v5+s5+$0x0], $0xffff  }
0xd1: {  	v6 =	vld.idx.msk [tilespmem:v6+s5+$0x0], $0xffff;
	[tilespmem:s28+$0x0] =	vst v0  }
0xd2: {  	v7 =	vld.idx.msk [tilespmem:v7+s5+$0x0], $0xffff;
	[tilespmem:s28+$0xFFFFFF20] =	vst v1  }
0xd3: {  	v15 =	vld.idx.msk [tilespmem:v15+s5+$0x0], $0xffff;
	[tilespmem:s28+$0xFFFFFF30] =	vst v2  }
0xd4: {  	v8 =	vld.idx.msk [tilespmem:v8+s5+$0x0], $0xffff;
	[tilespmem:s28+$0xFFFFFF40] =	vst v3  }
0xd5: {  	[tilespmem:s28+$0xFFFFFF50] =	vst v4;
	v0 =	vld.idx.msk [tilespmem:v9+s5+$0x0], $0xffff  }
0xd6: {  	[tilespmem:s28+$0xFFFFFF60] =	vst v5;
	v1 =	vld.idx.msk [tilespmem:v10+s5+$0x0], $0xffff  }
0xd7: {  	[tilespmem:s28+$0xFFFFFF70] =	vst v6;
	v2 =	vld.idx.msk [tilespmem:v11+s5+$0x0], $0xffff  }
0xd8: {  	[tilespmem:s28+$0xFFFFFF80] =	vst v7;
	v3 =	vld.idx.msk [tilespmem:v12+s5+$0x0], $0xffff  }
0xd9: {  	[tilespmem:s28+$0xFFFFFF10] =	vst v15;
	v4 =	vld.idx.msk [tilespmem:v13+s5+$0x0], $0xffff  }
0xda: {  	s29 =	simm.s32 $0x0;
	s30 =	simm.s32 $0x198F0;
	[tilespmem:s28+$0xFFFFFF90] =	vst v8;
	v5 =	vld.idx.msk [tilespmem:v14+s5+$0x0], $0xffff  }
.LBB2_7:
0xdb: {  	v6 =	vld [tilespmem:s30+$0x0];
	s29 =	sadd.s32 $0x10, s29;
	[tilespmem:s28+$0xFFFFFFA0] =	vst v0  }
0xdc: {  	v0 =	vld [tilespmem:s30+$0xFFFFFF20];
	p1 =	slt.u32 s29, $0x70;
	[tilespmem:s28+$0xFFFFFFB0] =	vst v1  }
0xdd: {  	v1 =	vld [tilespmem:s30+$0xFFFFFF30];
	[tilespmem:s28+$0xFFFFFFC0] =	vst v2  }
0xde: {  	v2 =	vld [tilespmem:s30+$0xFFFFFF40];
	[tilespmem:s28+$0xFFFFFFD0] =	vst v3  }
0xdf: {  	v3 =	vld [tilespmem:s30+$0xFFFFFF50];
	[tilespmem:s28+$0xFFFFFFE0] =	vst v4  }
0xe0: {  	v4 =	vld [tilespmem:s30+$0xFFFFFF60];
	[tilespmem:s28+$0xFFFFFFF0] =	vst v5  }
0xe1: {  	v5 =	vld [tilespmem:s30+$0xFFFFFF70]  }
0xe2: {  	v7 =	vld [tilespmem:s30+$0xFFFFFF80]  }
0xe3: {  	v6 =	vld.idx.msk [tilespmem:v6+s5+$0x0], $0xffff  }
0xe4: {  	v8 =	vld [tilespmem:s30+$0xFFFFFF90]  }
0xe5: {  	v9 =	vld [tilespmem:s30+$0xFFFFFFA0]  }
0xe6: {  	v10 =	vld [tilespmem:s30+$0xFFFFFFB0]  }
0xe7: {  	v11 =	vld [tilespmem:s30+$0xFFFFFFC0]  }
0xe8: {  	s28 =	sadd.s32 $0x100, s28;
	v12 =	vld [tilespmem:s30+$0xFFFFFFD0]  }
0xe9: {  	v13 =	vld [tilespmem:s30+$0xFFFFFFE0];
	[tilespmem:s28+$0x0] =	vst v6  }
0xea: {  	v6 =	vld [tilespmem:s30+$0xFFFFFFF0]  }
0xeb: {  	v14 =	vld [tilespmem:s30+$0xFFFFFF10]  }
0xec: {  	v0 =	vld.idx.msk [tilespmem:v0+s5+$0x0], $0xffff  }
0xed: {  	v1 =	vld.idx.msk [tilespmem:v1+s5+$0x0], $0xffff  }
0xee: {  	v2 =	vld.idx.msk [tilespmem:v2+s5+$0x0], $0xffff  }
0xef: {  	v3 =	vld.idx.msk [tilespmem:v3+s5+$0x0], $0xffff  }
0xf0: {  	v4 =	vld.idx.msk [tilespmem:v4+s5+$0x0], $0xffff  }
0xf1: {  	v5 =	vld.idx.msk [tilespmem:v5+s5+$0x0], $0xffff  }
0xf2: {  	[tilespmem:s28+$0xFFFFFF20] =	vst v0;
	v7 =	vld.idx.msk [tilespmem:v7+s5+$0x0], $0xffff  }
0xf3: {  	v14 =	vld.idx.msk [tilespmem:v14+s5+$0x0], $0xffff;
	[tilespmem:s28+$0xFFFFFF30] =	vst v1  }
0xf4: {  	[tilespmem:s28+$0xFFFFFF40] =	vst v2;
	v8 =	vld.idx.msk [tilespmem:v8+s5+$0x0], $0xffff  }
0xf5: {  	[tilespmem:s28+$0xFFFFFF50] =	vst v3;
	v0 =	vld.idx.msk [tilespmem:v9+s5+$0x0], $0xffff  }
.Ltmp2:
0xf6: {  	[tilespmem:s28+$0xFFFFFF60] =	vst v4;
	v1 =	vld.idx.msk [tilespmem:v10+s5+$0x0], $0xffff;
	(pc) =	sbr.rel @p1 .LBB2_7-.Ltmp2, $4  }
0xf7: {  	[tilespmem:s28+$0xFFFFFF70] =	vst v5;
	v2 =	vld.idx.msk [tilespmem:v11+s5+$0x0], $0xffff  }
0xf8: {  	[tilespmem:s28+$0xFFFFFF80] =	vst v7;
	v3 =	vld.idx.msk [tilespmem:v12+s5+$0x0], $0xffff  }
0xf9: {  	[tilespmem:s28+$0xFFFFFF10] =	vst v14;
	v4 =	vld.idx.msk [tilespmem:v13+s5+$0x0], $0xffff  }
0xfa: {  	s30 =	sadd.s32 $0x100, s30;
	[tilespmem:s28+$0xFFFFFF90] =	vst v8;
	v5 =	vld.idx.msk [tilespmem:v6+s5+$0x0], $0xffff  }
0xfb: {  	[tilespmem:s28+$0xFFFFFFA0] =	vst v0  }
0xfc: {  	[tilespmem:s28+$0xFFFFFFB0] =	vst v1  }
0xfd: {  	[tilespmem:s28+$0xFFFFFFC0] =	vst v2  }
0xfe: {  	[tilespmem:s28+$0xFFFFFFD0] =	vst v3  }
0xff: {  	[tilespmem:s28+$0xFFFFFFE0] =	vst v4  }
0x100: {  	[tilespmem:s28+$0xFFFFFFF0] =	vst v5;
	s28 =	sadd.s32 s26, s8  }
0x101: {  	[hbm4b:s28+s15] =	stream.strided.scatter [tilespmem:s21], [sflag:$0x1], $0x800, s16, s15, $0x38;
	[tilespmem:$0x1E700] =	vst v63  }
0x102: {  	s28 =	simm.s32 @!p0 $0x1  }
0x103: {  	_ =	swait.ge @!p0 [sflag:s28], $0x800  }
0x104: {  	[sflag:s28] =	ssyncset.done @!p0 $0x0  }
0x105: {  	[sflag:s28] =	ssyncadd.s32 @!p0 $0xFFFFF800;
	s28 =	simm.s32 $0x19FF0  }
0x106: {  	v0 =	vld [tilespmem:s28+$0x0]  }
0x107: {  	v1 =	vld [tilespmem:s28+$0xFFFFFF20]  }
0x108: {  	v2 =	vld [tilespmem:s28+$0xFFFFFF30]  }
0x109: {  	v3 =	vld [tilespmem:s28+$0xFFFFFF40]  }
0x10a: {  	v4 =	vld [tilespmem:s28+$0xFFFFFF50]  }
0x10b: {  	v5 =	vld [tilespmem:s28+$0xFFFFFF60]  }
0x10c: {  	v6 =	vld [tilespmem:s28+$0xFFFFFF70]  }
0x10d: {  	v7 =	vld [tilespmem:s28+$0xFFFFFF80]  }
0x10e: {  	v8 =	vld [tilespmem:s28+$0xFFFFFF90]  }
0x10f: {  	v9 =	vld [tilespmem:s28+$0xFFFFFFA0]  }
0x110: {  	v10 =	vld [tilespmem:s28+$0xFFFFFFB0]  }
0x111: {  	v11 =	vld [tilespmem:s28+$0xFFFFFFC0]  }
0x112: {  	v12 =	vld [tilespmem:s28+$0xFFFFFFD0]  }
0x113: {  	v13 =	vld [tilespmem:s28+$0xFFFFFFE0]  }
0x114: {  	v14 =	vld [tilespmem:s28+$0xFFFFFFF0]  }
0x115: {  	v15 =	vld [tilespmem:s28+$0xFFFFFF10]  }
0x116: {  	v0 =	vld.idx.msk [tilespmem:v0+s5+$0x0], $0xffff  }
0x117: {  	v1 =	vld.idx.msk [tilespmem:v1+s5+$0x0], $0xffff  }
0x118: {  	v2 =	vld.idx.msk [tilespmem:v2+s5+$0x0], $0xffff  }
0x119: {  	v3 =	vld.idx.msk [tilespmem:v3+s5+$0x0], $0xffff  }
0x11a: {  	v4 =	vld.idx.msk [tilespmem:v4+s5+$0x0], $0xffff  }
0x11b: {  	s28 =	simm.s32 $0x1DFF0;
	v5 =	vld.idx.msk [tilespmem:v5+s5+$0x0], $0xffff  }
0x11c: {  	v6 =	vld.idx.msk [tilespmem:v6+s5+$0x0], $0xffff;
	[tilespmem:s28+$0x0] =	vst v0  }
0x11d: {  	v7 =	vld.idx.msk [tilespmem:v7+s5+$0x0], $0xffff;
	[tilespmem:s28+$0xFFFFFF20] =	vst v1  }
0x11e: {  	v15 =	vld.idx.msk [tilespmem:v15+s5+$0x0], $0xffff;
	[tilespmem:s28+$0xFFFFFF30] =	vst v2  }
0x11f: {  	v8 =	vld.idx.msk [tilespmem:v8+s5+$0x0], $0xffff;
	[tilespmem:s28+$0xFFFFFF40] =	vst v3  }
0x120: {  	[tilespmem:s28+$0xFFFFFF50] =	vst v4;
	v0 =	vld.idx.msk [tilespmem:v9+s5+$0x0], $0xffff  }
0x121: {  	[tilespmem:s28+$0xFFFFFF60] =	vst v5;
	v1 =	vld.idx.msk [tilespmem:v10+s5+$0x0], $0xffff  }
0x122: {  	[tilespmem:s28+$0xFFFFFF70] =	vst v6;
	v2 =	vld.idx.msk [tilespmem:v11+s5+$0x0], $0xffff  }
0x123: {  	[tilespmem:s28+$0xFFFFFF80] =	vst v7;
	v3 =	vld.idx.msk [tilespmem:v12+s5+$0x0], $0xffff  }
0x124: {  	[tilespmem:s28+$0xFFFFFF10] =	vst v15;
	v4 =	vld.idx.msk [tilespmem:v13+s5+$0x0], $0xffff  }
0x125: {  	s29 =	simm.s32 $0x0;
	s30 =	simm.s32 $0x1A0F0;
	[tilespmem:s28+$0xFFFFFF90] =	vst v8;
	v5 =	vld.idx.msk [tilespmem:v14+s5+$0x0], $0xffff  }
.LBB2_9:
0x126: {  	v6 =	vld [tilespmem:s30+$0x0];
	s29 =	sadd.s32 $0x10, s29;
	[tilespmem:s28+$0xFFFFFFA0] =	vst v0  }
0x127: {  	v0 =	vld [tilespmem:s30+$0xFFFFFF20];
	p0 =	slt.u32 s29, $0x70;
	[tilespmem:s28+$0xFFFFFFB0] =	vst v1  }
0x128: {  	v1 =	vld [tilespmem:s30+$0xFFFFFF30];
	[tilespmem:s28+$0xFFFFFFC0] =	vst v2  }
0x129: {  	v2 =	vld [tilespmem:s30+$0xFFFFFF40];
	[tilespmem:s28+$0xFFFFFFD0] =	vst v3  }
0x12a: {  	v3 =	vld [tilespmem:s30+$0xFFFFFF50];
	[tilespmem:s28+$0xFFFFFFE0] =	vst v4  }
0x12b: {  	v4 =	vld [tilespmem:s30+$0xFFFFFF60];
	[tilespmem:s28+$0xFFFFFFF0] =	vst v5  }
0x12c: {  	v5 =	vld [tilespmem:s30+$0xFFFFFF70]  }
0x12d: {  	v7 =	vld [tilespmem:s30+$0xFFFFFF80]  }
0x12e: {  	v6 =	vld.idx.msk [tilespmem:v6+s5+$0x0], $0xffff  }
0x12f: {  	v8 =	vld [tilespmem:s30+$0xFFFFFF90]  }
0x130: {  	v9 =	vld [tilespmem:s30+$0xFFFFFFA0]  }
0x131: {  	v10 =	vld [tilespmem:s30+$0xFFFFFFB0]  }
0x132: {  	v11 =	vld [tilespmem:s30+$0xFFFFFFC0]  }
0x133: {  	s28 =	sadd.s32 $0x100, s28;
	v12 =	vld [tilespmem:s30+$0xFFFFFFD0]  }
0x134: {  	v13 =	vld [tilespmem:s30+$0xFFFFFFE0];
	[tilespmem:s28+$0x0] =	vst v6  }
0x135: {  	v6 =	vld [tilespmem:s30+$0xFFFFFFF0]  }
0x136: {  	v14 =	vld [tilespmem:s30+$0xFFFFFF10]  }
0x137: {  	v0 =	vld.idx.msk [tilespmem:v0+s5+$0x0], $0xffff  }
0x138: {  	v1 =	vld.idx.msk [tilespmem:v1+s5+$0x0], $0xffff  }
0x139: {  	v2 =	vld.idx.msk [tilespmem:v2+s5+$0x0], $0xffff  }
0x13a: {  	v3 =	vld.idx.msk [tilespmem:v3+s5+$0x0], $0xffff  }
0x13b: {  	v4 =	vld.idx.msk [tilespmem:v4+s5+$0x0], $0xffff  }
0x13c: {  	v5 =	vld.idx.msk [tilespmem:v5+s5+$0x0], $0xffff  }
0x13d: {  	[tilespmem:s28+$0xFFFFFF20] =	vst v0;
	v7 =	vld.idx.msk [tilespmem:v7+s5+$0x0], $0xffff  }
0x13e: {  	v14 =	vld.idx.msk [tilespmem:v14+s5+$0x0], $0xffff;
	[tilespmem:s28+$0xFFFFFF30] =	vst v1  }
0x13f: {  	[tilespmem:s28+$0xFFFFFF40] =	vst v2;
	v8 =	vld.idx.msk [tilespmem:v8+s5+$0x0], $0xffff  }
0x140: {  	[tilespmem:s28+$0xFFFFFF50] =	vst v3;
	v0 =	vld.idx.msk [tilespmem:v9+s5+$0x0], $0xffff  }
.Ltmp3:
0x141: {  	[tilespmem:s28+$0xFFFFFF60] =	vst v4;
	v1 =	vld.idx.msk [tilespmem:v10+s5+$0x0], $0xffff;
	(pc) =	sbr.rel @p0 .LBB2_9-.Ltmp3, $4  }
0x142: {  	[tilespmem:s28+$0xFFFFFF70] =	vst v5;
	v2 =	vld.idx.msk [tilespmem:v11+s5+$0x0], $0xffff  }
0x143: {  	[tilespmem:s28+$0xFFFFFF80] =	vst v7;
	v3 =	vld.idx.msk [tilespmem:v12+s5+$0x0], $0xffff  }
0x144: {  	[tilespmem:s28+$0xFFFFFF10] =	vst v14;
	v4 =	vld.idx.msk [tilespmem:v13+s5+$0x0], $0xffff  }
0x145: {  	s30 =	sadd.s32 $0x100, s30;
	[tilespmem:s28+$0xFFFFFF90] =	vst v8;
	v5 =	vld.idx.msk [tilespmem:v6+s5+$0x0], $0xffff  }
0x146: {  	[tilespmem:s28+$0xFFFFFFA0] =	vst v0  }
0x147: {  	[tilespmem:s28+$0xFFFFFFB0] =	vst v1  }
0x148: {  	[tilespmem:s28+$0xFFFFFFC0] =	vst v2  }
0x149: {  	[tilespmem:s28+$0xFFFFFFD0] =	vst v3  }
0x14a: {  	[tilespmem:s28+$0xFFFFFFE0] =	vst v4  }
0x14b: {  	[tilespmem:s28+$0xFFFFFFF0] =	vst v5;
	s28 =	sadd.s32 s26, s9  }
0x14c: {  	[hbm4b:s28+s15] =	stream.strided.scatter [tilespmem:s22], [sflag:$0x1], $0x800, s16, s15, $0x38;
	[tilespmem:$0x1E700] =	vst v63  }
0x14d: {  	_ =	swait.ge [sflag:s23], $0x800  }
0x14e: {  	[sflag:s23] =	ssyncset.done $0x0  }
0x14f: {  	s28 =	simm.s32 $0x1A7F0;
	[sflag:s23] =	ssyncadd.s32 $0xFFFFF800  }
0x150: {  	v0 =	vld [tilespmem:s28+$0x0]  }
0x151: {  	v1 =	vld [tilespmem:s28+$0xFFFFFF20]  }
0x152: {  	v2 =	vld [tilespmem:s28+$0xFFFFFF30]  }
0x153: {  	v3 =	vld [tilespmem:s28+$0xFFFFFF40]  }
0x154: {  	v4 =	vld [tilespmem:s28+$0xFFFFFF50]  }
0x155: {  	v5 =	vld [tilespmem:s28+$0xFFFFFF60]  }
0x156: {  	v6 =	vld [tilespmem:s28+$0xFFFFFF70]  }
0x157: {  	v7 =	vld [tilespmem:s28+$0xFFFFFF80]  }
0x158: {  	v8 =	vld [tilespmem:s28+$0xFFFFFF90]  }
0x159: {  	v9 =	vld [tilespmem:s28+$0xFFFFFFA0]  }
0x15a: {  	v10 =	vld [tilespmem:s28+$0xFFFFFFB0]  }
0x15b: {  	v11 =	vld [tilespmem:s28+$0xFFFFFFC0]  }
0x15c: {  	v12 =	vld [tilespmem:s28+$0xFFFFFFD0]  }
0x15d: {  	v13 =	vld [tilespmem:s28+$0xFFFFFFE0]  }
0x15e: {  	v14 =	vld [tilespmem:s28+$0xFFFFFFF0]  }
0x15f: {  	v15 =	vld [tilespmem:s28+$0xFFFFFF10]  }
0x160: {  	v0 =	vld.idx.msk [tilespmem:v0+s5+$0x0], $0xffff  }
0x161: {  	v1 =	vld.idx.msk [tilespmem:v1+s5+$0x0], $0xffff  }
0x162: {  	v2 =	vld.idx.msk [tilespmem:v2+s5+$0x0], $0xffff  }
0x163: {  	v3 =	vld.idx.msk [tilespmem:v3+s5+$0x0], $0xffff  }
0x164: {  	v4 =	vld.idx.msk [tilespmem:v4+s5+$0x0], $0xffff  }
0x165: {  	s28 =	simm.s32 $0x1C780;
	v5 =	vld.idx.msk [tilespmem:v5+s5+$0x0], $0xffff  }
0x166: {  	v6 =	vld.idx.msk [tilespmem:v6+s5+$0x0], $0xffff;
	[tilespmem:s28+$0x70] =	vst v0  }
0x167: {  	v7 =	vld.idx.msk [tilespmem:v7+s5+$0x0], $0xffff;
	[tilespmem:s28+$0xFFFFFF90] =	vst v1  }
0x168: {  	v15 =	vld.idx.msk [tilespmem:v15+s5+$0x0], $0xffff;
	[tilespmem:s28+$0xFFFFFFA0] =	vst v2  }
0x169: {  	v8 =	vld.idx.msk [tilespmem:v8+s5+$0x0], $0xffff;
	[tilespmem:s28+$0xFFFFFFB0] =	vst v3  }
0x16a: {  	[tilespmem:s28+$0xFFFFFFC0] =	vst v4;
	v0 =	vld.idx.msk [tilespmem:v9+s5+$0x0], $0xffff  }
0x16b: {  	[tilespmem:s28+$0xFFFFFFD0] =	vst v5;
	v1 =	vld.idx.msk [tilespmem:v10+s5+$0x0], $0xffff  }
0x16c: {  	[tilespmem:s28+$0xFFFFFFE0] =	vst v6;
	v2 =	vld.idx.msk [tilespmem:v11+s5+$0x0], $0xffff  }
0x16d: {  	[tilespmem:s28+$0xFFFFFFF0] =	vst v7;
	v3 =	vld.idx.msk [tilespmem:v12+s5+$0x0], $0xffff  }
0x16e: {  	[tilespmem:s28+$0xFFFFFF80] =	vst v15;
	v4 =	vld.idx.msk [tilespmem:v13+s5+$0x0], $0xffff  }
0x16f: {  	s29 =	sadd.s32 s26, s10;
	s30 =	simm.s32 $0x0;
	s31 =	simm.s32 $0x1A8F0;
	[tilespmem:s28+$0x0] =	vst v8;
	v5 =	vld.idx.msk [tilespmem:v14+s5+$0x0], $0xffff  }
.LBB2_11:
0x170: {  	v6 =	vld [tilespmem:s31+$0x0];
	s30 =	sadd.s32 $0x10, s30;
	[tilespmem:s28+$0x10] =	vst v0  }
0x171: {  	v0 =	vld [tilespmem:s31+$0xFFFFFF20];
	p0 =	slt.u32 s30, $0x70;
	[tilespmem:s28+$0x20] =	vst v1  }
0x172: {  	v1 =	vld [tilespmem:s31+$0xFFFFFF30];
	[tilespmem:s28+$0x30] =	vst v2  }
0x173: {  	v2 =	vld [tilespmem:s31+$0xFFFFFF40];
	[tilespmem:s28+$0x40] =	vst v3  }
0x174: {  	v3 =	vld [tilespmem:s31+$0xFFFFFF50];
	[tilespmem:s28+$0x50] =	vst v4  }
0x175: {  	v4 =	vld [tilespmem:s31+$0xFFFFFF60];
	[tilespmem:s28+$0x60] =	vst v5  }
0x176: {  	v5 =	vld [tilespmem:s31+$0xFFFFFF70]  }
0x177: {  	v7 =	vld [tilespmem:s31+$0xFFFFFF80]  }
0x178: {  	v6 =	vld.idx.msk [tilespmem:v6+s5+$0x0], $0xffff  }
0x179: {  	v8 =	vld [tilespmem:s31+$0xFFFFFF90]  }
0x17a: {  	v9 =	vld [tilespmem:s31+$0xFFFFFFA0]  }
0x17b: {  	v10 =	vld [tilespmem:s31+$0xFFFFFFB0]  }
0x17c: {  	v11 =	vld [tilespmem:s31+$0xFFFFFFC0]  }
0x17d: {  	s28 =	sadd.s32 $0x100, s28;
	v12 =	vld [tilespmem:s31+$0xFFFFFFD0]  }
0x17e: {  	v13 =	vld [tilespmem:s31+$0xFFFFFFE0];
	[tilespmem:s28+$0x70] =	vst v6  }
0x17f: {  	v6 =	vld [tilespmem:s31+$0xFFFFFFF0]  }
0x180: {  	v14 =	vld [tilespmem:s31+$0xFFFFFF10]  }
0x181: {  	v0 =	vld.idx.msk [tilespmem:v0+s5+$0x0], $0xffff  }
0x182: {  	v1 =	vld.idx.msk [tilespmem:v1+s5+$0x0], $0xffff  }
0x183: {  	v2 =	vld.idx.msk [tilespmem:v2+s5+$0x0], $0xffff  }
0x184: {  	v3 =	vld.idx.msk [tilespmem:v3+s5+$0x0], $0xffff  }
0x185: {  	v4 =	vld.idx.msk [tilespmem:v4+s5+$0x0], $0xffff  }
0x186: {  	v5 =	vld.idx.msk [tilespmem:v5+s5+$0x0], $0xffff  }
0x187: {  	[tilespmem:s28+$0xFFFFFF90] =	vst v0;
	v7 =	vld.idx.msk [tilespmem:v7+s5+$0x0], $0xffff  }
0x188: {  	v14 =	vld.idx.msk [tilespmem:v14+s5+$0x0], $0xffff;
	[tilespmem:s28+$0xFFFFFFA0] =	vst v1  }
0x189: {  	[tilespmem:s28+$0xFFFFFFB0] =	vst v2;
	v8 =	vld.idx.msk [tilespmem:v8+s5+$0x0], $0xffff  }
0x18a: {  	[tilespmem:s28+$0xFFFFFFC0] =	vst v3;
	v0 =	vld.idx.msk [tilespmem:v9+s5+$0x0], $0xffff  }
.Ltmp4:
0x18b: {  	[tilespmem:s28+$0xFFFFFFD0] =	vst v4;
	v1 =	vld.idx.msk [tilespmem:v10+s5+$0x0], $0xffff;
	(pc) =	sbr.rel @p0 .LBB2_11-.Ltmp4, $4  }
0x18c: {  	[tilespmem:s28+$0xFFFFFFE0] =	vst v5;
	v2 =	vld.idx.msk [tilespmem:v11+s5+$0x0], $0xffff  }
0x18d: {  	[tilespmem:s28+$0xFFFFFFF0] =	vst v7;
	v3 =	vld.idx.msk [tilespmem:v12+s5+$0x0], $0xffff  }
0x18e: {  	[tilespmem:s28+$0xFFFFFF80] =	vst v14;
	v4 =	vld.idx.msk [tilespmem:v13+s5+$0x0], $0xffff  }
0x18f: {  	s31 =	sadd.s32 $0x100, s31;
	[tilespmem:s28+$0x0] =	vst v8;
	v5 =	vld.idx.msk [tilespmem:v6+s5+$0x0], $0xffff  }
0x190: {  	[tilespmem:s28+$0x10] =	vst v0  }
0x191: {  	[tilespmem:s28+$0x20] =	vst v1  }
0x192: {  	[tilespmem:s28+$0x30] =	vst v2  }
0x193: {  	[tilespmem:s28+$0x40] =	vst v3  }
0x194: {  	[tilespmem:s28+$0x50] =	vst v4  }
0x195: {  	[tilespmem:s28+$0x60] =	vst v5  }
0x196: {  	[hbm4b:s29+s15] =	stream.strided.scatter [tilespmem:s19], [sflag:$0x1], $0x800, s16, s15, $0x38;
	[tilespmem:$0x1E700] =	vst v63  }
0x197: {  	_ =	swait.ge [sflag:s23], $0x800  }
0x198: {  	[sflag:s23] =	ssyncset.done $0x0  }
0x199: {  	s28 =	simm.s32 $0x1AFF0;
	[sflag:s23] =	ssyncadd.s32 $0xFFFFF800  }
0x19a: {  	v0 =	vld [tilespmem:s28+$0x0]  }
0x19b: {  	v1 =	vld [tilespmem:s28+$0xFFFFFF20]  }
0x19c: {  	v2 =	vld [tilespmem:s28+$0xFFFFFF30]  }
0x19d: {  	v3 =	vld [tilespmem:s28+$0xFFFFFF40]  }
0x19e: {  	v4 =	vld [tilespmem:s28+$0xFFFFFF50]  }
0x19f: {  	v5 =	vld [tilespmem:s28+$0xFFFFFF60]  }
0x1a0: {  	v6 =	vld [tilespmem:s28+$0xFFFFFF70]  }
0x1a1: {  	v7 =	vld [tilespmem:s28+$0xFFFFFF80]  }
0x1a2: {  	v8 =	vld [tilespmem:s28+$0xFFFFFF90]  }
0x1a3: {  	v9 =	vld [tilespmem:s28+$0xFFFFFFA0]  }
0x1a4: {  	v10 =	vld [tilespmem:s28+$0xFFFFFFB0]  }
0x1a5: {  	v11 =	vld [tilespmem:s28+$0xFFFFFFC0]  }
0x1a6: {  	v12 =	vld [tilespmem:s28+$0xFFFFFFD0]  }
0x1a7: {  	v13 =	vld [tilespmem:s28+$0xFFFFFFE0]  }
0x1a8: {  	v14 =	vld [tilespmem:s28+$0xFFFFFFF0]  }
0x1a9: {  	v15 =	vld [tilespmem:s28+$0xFFFFFF10]  }
0x1aa: {  	v0 =	vld.idx.msk [tilespmem:v0+s5+$0x0], $0xffff  }
0x1ab: {  	v1 =	vld.idx.msk [tilespmem:v1+s5+$0x0], $0xffff  }
0x1ac: {  	v2 =	vld.idx.msk [tilespmem:v2+s5+$0x0], $0xffff  }
0x1ad: {  	v3 =	vld.idx.msk [tilespmem:v3+s5+$0x0], $0xffff  }
0x1ae: {  	v4 =	vld.idx.msk [tilespmem:v4+s5+$0x0], $0xffff  }
0x1af: {  	s28 =	simm.s32 $0x1CFF0;
	v5 =	vld.idx.msk [tilespmem:v5+s5+$0x0], $0xffff  }
0x1b0: {  	v6 =	vld.idx.msk [tilespmem:v6+s5+$0x0], $0xffff;
	[tilespmem:s28+$0x0] =	vst v0  }
0x1b1: {  	v7 =	vld.idx.msk [tilespmem:v7+s5+$0x0], $0xffff;
	[tilespmem:s28+$0xFFFFFF20] =	vst v1  }
0x1b2: {  	v15 =	vld.idx.msk [tilespmem:v15+s5+$0x0], $0xffff;
	[tilespmem:s28+$0xFFFFFF30] =	vst v2  }
0x1b3: {  	v8 =	vld.idx.msk [tilespmem:v8+s5+$0x0], $0xffff;
	[tilespmem:s28+$0xFFFFFF40] =	vst v3  }
0x1b4: {  	[tilespmem:s28+$0xFFFFFF50] =	vst v4;
	v0 =	vld.idx.msk [tilespmem:v9+s5+$0x0], $0xffff  }
0x1b5: {  	[tilespmem:s28+$0xFFFFFF60] =	vst v5;
	v1 =	vld.idx.msk [tilespmem:v10+s5+$0x0], $0xffff  }
0x1b6: {  	[tilespmem:s28+$0xFFFFFF70] =	vst v6;
	v2 =	vld.idx.msk [tilespmem:v11+s5+$0x0], $0xffff  }
0x1b7: {  	[tilespmem:s28+$0xFFFFFF80] =	vst v7;
	v3 =	vld.idx.msk [tilespmem:v12+s5+$0x0], $0xffff  }
0x1b8: {  	[tilespmem:s28+$0xFFFFFF10] =	vst v15;
	v4 =	vld.idx.msk [tilespmem:v13+s5+$0x0], $0xffff  }
0x1b9: {  	s30 =	simm.s32 $0x0;
	s31 =	simm.s32 $0x1B0F0;
	s29 =	sadd.s32 s26, s11;
	[tilespmem:s28+$0xFFFFFF90] =	vst v8;
	v5 =	vld.idx.msk [tilespmem:v14+s5+$0x0], $0xffff  }
.LBB2_13:
0x1ba: {  	v6 =	vld [tilespmem:s31+$0x0];
	s30 =	sadd.s32 $0x10, s30;
	[tilespmem:s28+$0xFFFFFFA0] =	vst v0  }
0x1bb: {  	v0 =	vld [tilespmem:s31+$0xFFFFFF20];
	p0 =	slt.u32 s30, $0x70;
	[tilespmem:s28+$0xFFFFFFB0] =	vst v1  }
0x1bc: {  	v1 =	vld [tilespmem:s31+$0xFFFFFF30];
	[tilespmem:s28+$0xFFFFFFC0] =	vst v2  }
0x1bd: {  	v2 =	vld [tilespmem:s31+$0xFFFFFF40];
	[tilespmem:s28+$0xFFFFFFD0] =	vst v3  }
0x1be: {  	v3 =	vld [tilespmem:s31+$0xFFFFFF50];
	[tilespmem:s28+$0xFFFFFFE0] =	vst v4  }
0x1bf: {  	v4 =	vld [tilespmem:s31+$0xFFFFFF60];
	[tilespmem:s28+$0xFFFFFFF0] =	vst v5  }
0x1c0: {  	v5 =	vld [tilespmem:s31+$0xFFFFFF70]  }
0x1c1: {  	v7 =	vld [tilespmem:s31+$0xFFFFFF80]  }
0x1c2: {  	v6 =	vld.idx.msk [tilespmem:v6+s5+$0x0], $0xffff  }
0x1c3: {  	v8 =	vld [tilespmem:s31+$0xFFFFFF90]  }
0x1c4: {  	v9 =	vld [tilespmem:s31+$0xFFFFFFA0]  }
0x1c5: {  	v10 =	vld [tilespmem:s31+$0xFFFFFFB0]  }
0x1c6: {  	v11 =	vld [tilespmem:s31+$0xFFFFFFC0]  }
0x1c7: {  	s28 =	sadd.s32 $0x100, s28;
	v12 =	vld [tilespmem:s31+$0xFFFFFFD0]  }
0x1c8: {  	v13 =	vld [tilespmem:s31+$0xFFFFFFE0];
	[tilespmem:s28+$0x0] =	vst v6  }
0x1c9: {  	v6 =	vld [tilespmem:s31+$0xFFFFFFF0]  }
0x1ca: {  	v14 =	vld [tilespmem:s31+$0xFFFFFF10]  }
0x1cb: {  	v0 =	vld.idx.msk [tilespmem:v0+s5+$0x0], $0xffff  }
0x1cc: {  	v1 =	vld.idx.msk [tilespmem:v1+s5+$0x0], $0xffff  }
0x1cd: {  	v2 =	vld.idx.msk [tilespmem:v2+s5+$0x0], $0xffff  }
0x1ce: {  	v3 =	vld.idx.msk [tilespmem:v3+s5+$0x0], $0xffff  }
0x1cf: {  	v4 =	vld.idx.msk [tilespmem:v4+s5+$0x0], $0xffff  }
0x1d0: {  	v5 =	vld.idx.msk [tilespmem:v5+s5+$0x0], $0xffff  }
0x1d1: {  	[tilespmem:s28+$0xFFFFFF20] =	vst v0;
	v7 =	vld.idx.msk [tilespmem:v7+s5+$0x0], $0xffff  }
0x1d2: {  	v14 =	vld.idx.msk [tilespmem:v14+s5+$0x0], $0xffff;
	[tilespmem:s28+$0xFFFFFF30] =	vst v1  }
0x1d3: {  	[tilespmem:s28+$0xFFFFFF40] =	vst v2;
	v8 =	vld.idx.msk [tilespmem:v8+s5+$0x0], $0xffff  }
0x1d4: {  	[tilespmem:s28+$0xFFFFFF50] =	vst v3;
	v0 =	vld.idx.msk [tilespmem:v9+s5+$0x0], $0xffff  }
.Ltmp5:
0x1d5: {  	[tilespmem:s28+$0xFFFFFF60] =	vst v4;
	v1 =	vld.idx.msk [tilespmem:v10+s5+$0x0], $0xffff;
	(pc) =	sbr.rel @p0 .LBB2_13-.Ltmp5, $4  }
0x1d6: {  	[tilespmem:s28+$0xFFFFFF70] =	vst v5;
	v2 =	vld.idx.msk [tilespmem:v11+s5+$0x0], $0xffff  }
0x1d7: {  	[tilespmem:s28+$0xFFFFFF80] =	vst v7;
	v3 =	vld.idx.msk [tilespmem:v12+s5+$0x0], $0xffff  }
0x1d8: {  	[tilespmem:s28+$0xFFFFFF10] =	vst v14;
	v4 =	vld.idx.msk [tilespmem:v13+s5+$0x0], $0xffff  }
0x1d9: {  	s31 =	sadd.s32 $0x100, s31;
	[tilespmem:s28+$0xFFFFFF90] =	vst v8;
	v5 =	vld.idx.msk [tilespmem:v6+s5+$0x0], $0xffff  }
0x1da: {  	[tilespmem:s28+$0xFFFFFFA0] =	vst v0  }
0x1db: {  	[tilespmem:s28+$0xFFFFFFB0] =	vst v1  }
0x1dc: {  	[tilespmem:s28+$0xFFFFFFC0] =	vst v2  }
0x1dd: {  	[tilespmem:s28+$0xFFFFFFD0] =	vst v3  }
0x1de: {  	[tilespmem:s28+$0xFFFFFFE0] =	vst v4  }
0x1df: {  	[tilespmem:s28+$0xFFFFFFF0] =	vst v5  }
0x1e0: {  	[hbm4b:s29+s15] =	stream.strided.scatter [tilespmem:s20], [sflag:$0x1], $0x800, s16, s15, $0x38;
	[tilespmem:$0x1E700] =	vst v63  }
0x1e1: {  	_ =	swait.ge [sflag:s23], $0x800  }
0x1e2: {  	[sflag:s23] =	ssyncset.done $0x0  }
0x1e3: {  	s28 =	simm.s32 $0x1B7F0;
	[sflag:s23] =	ssyncadd.s32 $0xFFFFF800  }
0x1e4: {  	v0 =	vld [tilespmem:s28+$0x0]  }
0x1e5: {  	v1 =	vld [tilespmem:s28+$0xFFFFFF20]  }
0x1e6: {  	v2 =	vld [tilespmem:s28+$0xFFFFFF30]  }
0x1e7: {  	v3 =	vld [tilespmem:s28+$0xFFFFFF40]  }
0x1e8: {  	v4 =	vld [tilespmem:s28+$0xFFFFFF50]  }
0x1e9: {  	v5 =	vld [tilespmem:s28+$0xFFFFFF60]  }
0x1ea: {  	v6 =	vld [tilespmem:s28+$0xFFFFFF70]  }
0x1eb: {  	v7 =	vld [tilespmem:s28+$0xFFFFFF80]  }
0x1ec: {  	v8 =	vld [tilespmem:s28+$0xFFFFFF90]  }
0x1ed: {  	v9 =	vld [tilespmem:s28+$0xFFFFFFA0]  }
0x1ee: {  	v10 =	vld [tilespmem:s28+$0xFFFFFFB0]  }
0x1ef: {  	v11 =	vld [tilespmem:s28+$0xFFFFFFC0]  }
0x1f0: {  	v12 =	vld [tilespmem:s28+$0xFFFFFFD0]  }
0x1f1: {  	v13 =	vld [tilespmem:s28+$0xFFFFFFE0]  }
0x1f2: {  	v14 =	vld [tilespmem:s28+$0xFFFFFFF0]  }
0x1f3: {  	v15 =	vld [tilespmem:s28+$0xFFFFFF10]  }
0x1f4: {  	v0 =	vld.idx.msk [tilespmem:v0+s5+$0x0], $0xffff  }
0x1f5: {  	v1 =	vld.idx.msk [tilespmem:v1+s5+$0x0], $0xffff  }
0x1f6: {  	v2 =	vld.idx.msk [tilespmem:v2+s5+$0x0], $0xffff  }
0x1f7: {  	v3 =	vld.idx.msk [tilespmem:v3+s5+$0x0], $0xffff  }
0x1f8: {  	v4 =	vld.idx.msk [tilespmem:v4+s5+$0x0], $0xffff  }
0x1f9: {  	s28 =	simm.s32 $0x1D7F0;
	v5 =	vld.idx.msk [tilespmem:v5+s5+$0x0], $0xffff  }
0x1fa: {  	v6 =	vld.idx.msk [tilespmem:v6+s5+$0x0], $0xffff;
	[tilespmem:s28+$0x0] =	vst v0  }
0x1fb: {  	v7 =	vld.idx.msk [tilespmem:v7+s5+$0x0], $0xffff;
	[tilespmem:s28+$0xFFFFFF20] =	vst v1  }
0x1fc: {  	v15 =	vld.idx.msk [tilespmem:v15+s5+$0x0], $0xffff;
	[tilespmem:s28+$0xFFFFFF30] =	vst v2  }
0x1fd: {  	v8 =	vld.idx.msk [tilespmem:v8+s5+$0x0], $0xffff;
	[tilespmem:s28+$0xFFFFFF40] =	vst v3  }
0x1fe: {  	[tilespmem:s28+$0xFFFFFF50] =	vst v4;
	v0 =	vld.idx.msk [tilespmem:v9+s5+$0x0], $0xffff  }
0x1ff: {  	[tilespmem:s28+$0xFFFFFF60] =	vst v5;
	v1 =	vld.idx.msk [tilespmem:v10+s5+$0x0], $0xffff  }
0x200: {  	[tilespmem:s28+$0xFFFFFF70] =	vst v6;
	v2 =	vld.idx.msk [tilespmem:v11+s5+$0x0], $0xffff  }
0x201: {  	[tilespmem:s28+$0xFFFFFF80] =	vst v7;
	v3 =	vld.idx.msk [tilespmem:v12+s5+$0x0], $0xffff  }
0x202: {  	[tilespmem:s28+$0xFFFFFF10] =	vst v15;
	v4 =	vld.idx.msk [tilespmem:v13+s5+$0x0], $0xffff  }
0x203: {  	s30 =	simm.s32 $0x0;
	s31 =	simm.s32 $0x1B8F0;
	s29 =	sadd.s32 s26, s12;
	[tilespmem:s28+$0xFFFFFF90] =	vst v8;
	v5 =	vld.idx.msk [tilespmem:v14+s5+$0x0], $0xffff  }
.LBB2_15:
0x204: {  	v6 =	vld [tilespmem:s31+$0x0];
	s30 =	sadd.s32 $0x10, s30;
	[tilespmem:s28+$0xFFFFFFA0] =	vst v0  }
0x205: {  	v0 =	vld [tilespmem:s31+$0xFFFFFF20];
	p0 =	slt.u32 s30, $0x70;
	[tilespmem:s28+$0xFFFFFFB0] =	vst v1  }
0x206: {  	v1 =	vld [tilespmem:s31+$0xFFFFFF30];
	[tilespmem:s28+$0xFFFFFFC0] =	vst v2  }
0x207: {  	v2 =	vld [tilespmem:s31+$0xFFFFFF40];
	[tilespmem:s28+$0xFFFFFFD0] =	vst v3  }
0x208: {  	v3 =	vld [tilespmem:s31+$0xFFFFFF50];
	[tilespmem:s28+$0xFFFFFFE0] =	vst v4  }
0x209: {  	v4 =	vld [tilespmem:s31+$0xFFFFFF60];
	[tilespmem:s28+$0xFFFFFFF0] =	vst v5  }
0x20a: {  	v5 =	vld [tilespmem:s31+$0xFFFFFF70]  }
0x20b: {  	v7 =	vld [tilespmem:s31+$0xFFFFFF80]  }
0x20c: {  	v6 =	vld.idx.msk [tilespmem:v6+s5+$0x0], $0xffff  }
0x20d: {  	v8 =	vld [tilespmem:s31+$0xFFFFFF90]  }
0x20e: {  	v9 =	vld [tilespmem:s31+$0xFFFFFFA0]  }
0x20f: {  	v10 =	vld [tilespmem:s31+$0xFFFFFFB0]  }
0x210: {  	v11 =	vld [tilespmem:s31+$0xFFFFFFC0]  }
0x211: {  	s28 =	sadd.s32 $0x100, s28;
	v12 =	vld [tilespmem:s31+$0xFFFFFFD0]  }
0x212: {  	v13 =	vld [tilespmem:s31+$0xFFFFFFE0];
	[tilespmem:s28+$0x0] =	vst v6  }
0x213: {  	v6 =	vld [tilespmem:s31+$0xFFFFFFF0]  }
0x214: {  	v14 =	vld [tilespmem:s31+$0xFFFFFF10]  }
0x215: {  	v0 =	vld.idx.msk [tilespmem:v0+s5+$0x0], $0xffff  }
0x216: {  	v1 =	vld.idx.msk [tilespmem:v1+s5+$0x0], $0xffff  }
0x217: {  	v2 =	vld.idx.msk [tilespmem:v2+s5+$0x0], $0xffff  }
0x218: {  	v3 =	vld.idx.msk [tilespmem:v3+s5+$0x0], $0xffff  }
0x219: {  	v4 =	vld.idx.msk [tilespmem:v4+s5+$0x0], $0xffff  }
0x21a: {  	v5 =	vld.idx.msk [tilespmem:v5+s5+$0x0], $0xffff  }
0x21b: {  	[tilespmem:s28+$0xFFFFFF20] =	vst v0;
	v7 =	vld.idx.msk [tilespmem:v7+s5+$0x0], $0xffff  }
0x21c: {  	v14 =	vld.idx.msk [tilespmem:v14+s5+$0x0], $0xffff;
	[tilespmem:s28+$0xFFFFFF30] =	vst v1  }
0x21d: {  	[tilespmem:s28+$0xFFFFFF40] =	vst v2;
	v8 =	vld.idx.msk [tilespmem:v8+s5+$0x0], $0xffff  }
0x21e: {  	[tilespmem:s28+$0xFFFFFF50] =	vst v3;
	v0 =	vld.idx.msk [tilespmem:v9+s5+$0x0], $0xffff  }
.Ltmp6:
0x21f: {  	[tilespmem:s28+$0xFFFFFF60] =	vst v4;
	v1 =	vld.idx.msk [tilespmem:v10+s5+$0x0], $0xffff;
	(pc) =	sbr.rel @p0 .LBB2_15-.Ltmp6, $4  }
0x220: {  	[tilespmem:s28+$0xFFFFFF70] =	vst v5;
	v2 =	vld.idx.msk [tilespmem:v11+s5+$0x0], $0xffff  }
0x221: {  	[tilespmem:s28+$0xFFFFFF80] =	vst v7;
	v3 =	vld.idx.msk [tilespmem:v12+s5+$0x0], $0xffff  }
0x222: {  	[tilespmem:s28+$0xFFFFFF10] =	vst v14;
	v4 =	vld.idx.msk [tilespmem:v13+s5+$0x0], $0xffff  }
0x223: {  	s31 =	sadd.s32 $0x100, s31;
	[tilespmem:s28+$0xFFFFFF90] =	vst v8;
	v5 =	vld.idx.msk [tilespmem:v6+s5+$0x0], $0xffff  }
0x224: {  	[tilespmem:s28+$0xFFFFFFA0] =	vst v0  }
0x225: {  	[tilespmem:s28+$0xFFFFFFB0] =	vst v1  }
0x226: {  	[tilespmem:s28+$0xFFFFFFC0] =	vst v2  }
0x227: {  	[tilespmem:s28+$0xFFFFFFD0] =	vst v3  }
0x228: {  	[tilespmem:s28+$0xFFFFFFE0] =	vst v4  }
0x229: {  	[tilespmem:s28+$0xFFFFFFF0] =	vst v5  }
0x22a: {  	[hbm4b:s29+s15] =	stream.strided.scatter [tilespmem:s21], [sflag:$0x1], $0x800, s16, s15, $0x38;
	[tilespmem:$0x1E700] =	vst v63  }
0x22b: {  	_ =	swait.ge [sflag:s23], $0x800  }
0x22c: {  	[sflag:s23] =	ssyncset.done $0x0  }
0x22d: {  	s28 =	simm.s32 $0x1BFF0;
	[sflag:s23] =	ssyncadd.s32 $0xFFFFF800  }
0x22e: {  	v0 =	vld [tilespmem:s28+$0x0]  }
0x22f: {  	v1 =	vld [tilespmem:s28+$0xFFFFFF20]  }
0x230: {  	v2 =	vld [tilespmem:s28+$0xFFFFFF30]  }
0x231: {  	v3 =	vld [tilespmem:s28+$0xFFFFFF40]  }
0x232: {  	v4 =	vld [tilespmem:s28+$0xFFFFFF50]  }
0x233: {  	v5 =	vld [tilespmem:s28+$0xFFFFFF60]  }
0x234: {  	v6 =	vld [tilespmem:s28+$0xFFFFFF70]  }
0x235: {  	v7 =	vld [tilespmem:s28+$0xFFFFFF80]  }
0x236: {  	v8 =	vld [tilespmem:s28+$0xFFFFFF90]  }
0x237: {  	v9 =	vld [tilespmem:s28+$0xFFFFFFA0]  }
0x238: {  	v10 =	vld [tilespmem:s28+$0xFFFFFFB0]  }
0x239: {  	v11 =	vld [tilespmem:s28+$0xFFFFFFC0]  }
0x23a: {  	v12 =	vld [tilespmem:s28+$0xFFFFFFD0]  }
0x23b: {  	v13 =	vld [tilespmem:s28+$0xFFFFFFE0]  }
0x23c: {  	v14 =	vld [tilespmem:s28+$0xFFFFFFF0]  }
0x23d: {  	v15 =	vld [tilespmem:s28+$0xFFFFFF10]  }
0x23e: {  	v0 =	vld.idx.msk [tilespmem:v0+s5+$0x0], $0xffff  }
0x23f: {  	v1 =	vld.idx.msk [tilespmem:v1+s5+$0x0], $0xffff  }
0x240: {  	v2 =	vld.idx.msk [tilespmem:v2+s5+$0x0], $0xffff  }
0x241: {  	v3 =	vld.idx.msk [tilespmem:v3+s5+$0x0], $0xffff  }
0x242: {  	v4 =	vld.idx.msk [tilespmem:v4+s5+$0x0], $0xffff  }
0x243: {  	s28 =	simm.s32 $0x1DFF0;
	v5 =	vld.idx.msk [tilespmem:v5+s5+$0x0], $0xffff  }
0x244: {  	v6 =	vld.idx.msk [tilespmem:v6+s5+$0x0], $0xffff;
	[tilespmem:s28+$0x0] =	vst v0  }
0x245: {  	v7 =	vld.idx.msk [tilespmem:v7+s5+$0x0], $0xffff;
	[tilespmem:s28+$0xFFFFFF20] =	vst v1  }
0x246: {  	v15 =	vld.idx.msk [tilespmem:v15+s5+$0x0], $0xffff;
	[tilespmem:s28+$0xFFFFFF30] =	vst v2  }
0x247: {  	v8 =	vld.idx.msk [tilespmem:v8+s5+$0x0], $0xffff;
	[tilespmem:s28+$0xFFFFFF40] =	vst v3  }
0x248: {  	[tilespmem:s28+$0xFFFFFF50] =	vst v4;
	v0 =	vld.idx.msk [tilespmem:v9+s5+$0x0], $0xffff  }
0x249: {  	[tilespmem:s28+$0xFFFFFF60] =	vst v5;
	v1 =	vld.idx.msk [tilespmem:v10+s5+$0x0], $0xffff  }
0x24a: {  	[tilespmem:s28+$0xFFFFFF70] =	vst v6;
	v2 =	vld.idx.msk [tilespmem:v11+s5+$0x0], $0xffff  }
0x24b: {  	[tilespmem:s28+$0xFFFFFF80] =	vst v7;
	v3 =	vld.idx.msk [tilespmem:v12+s5+$0x0], $0xffff  }
0x24c: {  	[tilespmem:s28+$0xFFFFFF10] =	vst v15;
	v4 =	vld.idx.msk [tilespmem:v13+s5+$0x0], $0xffff  }
0x24d: {  	s26 =	sadd.s32 s26, s13;
	s30 =	simm.s32 $0x1C0F0;
	s29 =	simm.s32 $0x0;
	[tilespmem:s28+$0xFFFFFF90] =	vst v8;
	v5 =	vld.idx.msk [tilespmem:v14+s5+$0x0], $0xffff  }
.LBB2_17:
0x24e: {  	v6 =	vld [tilespmem:s30+$0x0];
	s29 =	sadd.s32 $0x10, s29;
	[tilespmem:s28+$0xFFFFFFA0] =	vst v0  }
0x24f: {  	v0 =	vld [tilespmem:s30+$0xFFFFFF20];
	p0 =	slt.u32 s29, $0x70;
	[tilespmem:s28+$0xFFFFFFB0] =	vst v1  }
0x250: {  	v1 =	vld [tilespmem:s30+$0xFFFFFF30];
	[tilespmem:s28+$0xFFFFFFC0] =	vst v2  }
0x251: {  	v2 =	vld [tilespmem:s30+$0xFFFFFF40];
	[tilespmem:s28+$0xFFFFFFD0] =	vst v3  }
0x252: {  	v3 =	vld [tilespmem:s30+$0xFFFFFF50];
	[tilespmem:s28+$0xFFFFFFE0] =	vst v4  }
0x253: {  	v4 =	vld [tilespmem:s30+$0xFFFFFF60];
	[tilespmem:s28+$0xFFFFFFF0] =	vst v5  }
0x254: {  	v5 =	vld [tilespmem:s30+$0xFFFFFF70]  }
0x255: {  	v7 =	vld [tilespmem:s30+$0xFFFFFF80]  }
0x256: {  	v6 =	vld.idx.msk [tilespmem:v6+s5+$0x0], $0xffff  }
0x257: {  	v8 =	vld [tilespmem:s30+$0xFFFFFF90]  }
0x258: {  	v9 =	vld [tilespmem:s30+$0xFFFFFFA0]  }
0x259: {  	v10 =	vld [tilespmem:s30+$0xFFFFFFB0]  }
0x25a: {  	v11 =	vld [tilespmem:s30+$0xFFFFFFC0]  }
0x25b: {  	s28 =	sadd.s32 $0x100, s28;
	v12 =	vld [tilespmem:s30+$0xFFFFFFD0]  }
0x25c: {  	v13 =	vld [tilespmem:s30+$0xFFFFFFE0];
	[tilespmem:s28+$0x0] =	vst v6  }
0x25d: {  	v6 =	vld [tilespmem:s30+$0xFFFFFFF0]  }
0x25e: {  	v14 =	vld [tilespmem:s30+$0xFFFFFF10]  }
0x25f: {  	v0 =	vld.idx.msk [tilespmem:v0+s5+$0x0], $0xffff  }
0x260: {  	v1 =	vld.idx.msk [tilespmem:v1+s5+$0x0], $0xffff  }
0x261: {  	v2 =	vld.idx.msk [tilespmem:v2+s5+$0x0], $0xffff  }
0x262: {  	v3 =	vld.idx.msk [tilespmem:v3+s5+$0x0], $0xffff  }
0x263: {  	v4 =	vld.idx.msk [tilespmem:v4+s5+$0x0], $0xffff  }
0x264: {  	v5 =	vld.idx.msk [tilespmem:v5+s5+$0x0], $0xffff  }
0x265: {  	[tilespmem:s28+$0xFFFFFF20] =	vst v0;
	v7 =	vld.idx.msk [tilespmem:v7+s5+$0x0], $0xffff  }
0x266: {  	v14 =	vld.idx.msk [tilespmem:v14+s5+$0x0], $0xffff;
	[tilespmem:s28+$0xFFFFFF30] =	vst v1  }
0x267: {  	[tilespmem:s28+$0xFFFFFF40] =	vst v2;
	v8 =	vld.idx.msk [tilespmem:v8+s5+$0x0], $0xffff  }
0x268: {  	[tilespmem:s28+$0xFFFFFF50] =	vst v3;
	v0 =	vld.idx.msk [tilespmem:v9+s5+$0x0], $0xffff  }
.Ltmp7:
0x269: {  	[tilespmem:s28+$0xFFFFFF60] =	vst v4;
	v1 =	vld.idx.msk [tilespmem:v10+s5+$0x0], $0xffff;
	(pc) =	sbr.rel @p0 .LBB2_17-.Ltmp7, $4  }
0x26a: {  	[tilespmem:s28+$0xFFFFFF70] =	vst v5;
	v2 =	vld.idx.msk [tilespmem:v11+s5+$0x0], $0xffff  }
0x26b: {  	[tilespmem:s28+$0xFFFFFF80] =	vst v7;
	v3 =	vld.idx.msk [tilespmem:v12+s5+$0x0], $0xffff  }
0x26c: {  	[tilespmem:s28+$0xFFFFFF10] =	vst v14;
	v4 =	vld.idx.msk [tilespmem:v13+s5+$0x0], $0xffff  }
0x26d: {  	s30 =	sadd.s32 $0x100, s30;
	[tilespmem:s28+$0xFFFFFF90] =	vst v8;
	v5 =	vld.idx.msk [tilespmem:v6+s5+$0x0], $0xffff  }
0x26e: {  	[tilespmem:s28+$0xFFFFFFA0] =	vst v0;
	s25 =	sadd.s32 $0x1, s25  }
0x26f: {  	[tilespmem:s28+$0xFFFFFFB0] =	vst v1;
	p0 =	sne.s32 s25, $0x1A  }
.Ltmp8:
0x270: {  	[tilespmem:s28+$0xFFFFFFC0] =	vst v2;
	(pc) =	sbr.rel @p0 .LBB2_2-.Ltmp8, $4  }
0x271: {  	[tilespmem:s28+$0xFFFFFFD0] =	vst v3  }
0x272: {  	[tilespmem:s28+$0xFFFFFFE0] =	vst v4  }
0x273: {  	[tilespmem:s28+$0xFFFFFFF0] =	vst v5  }
0x274: {  	[hbm4b:s26+s15] =	stream.strided.scatter [tilespmem:s22], [sflag:$0x1], $0x800, s16, s15, $0x38;
	[tilespmem:$0x1E700] =	vst v63  }
0x275: {  	_ =	swait.ge [sflag:s23], $0x800  }
0x276: {  	[sflag:s23] =	ssyncset.done $0x0  }
0x277: {  	[sflag:s23] =	ssyncadd.s32 $0xFFFFF800  }
0x278: {  	_ =	swait.ge [sflag:s23], $0x800  }
0x279: {  	[sflag:s23] =	ssyncset.done $0x0  }
0x27a: {  	s24 =	sadd.s32 $0x1, s24;
	[sflag:s23] =	ssyncadd.s32 $0xFFFFF800  }
0x27b: {  	p0 =	sne.s32 s24, s14;
	_ =	swait.ge [sflag:s23], $0x800  }
.Ltmp9:
0x27c: {  	[sflag:s23] =	ssyncset.done $0x0;
	(pc) =	sbr.rel @p0 .LBB2_1-.Ltmp9, $4  }
0x27d: {  	[sflag:s23] =	ssyncadd.s32 $0xFFFFF800  }
0x27e: {  	_ =	swait.ge [sflag:s23], $0x800  }
0x27f: {  	[sflag:s23] =	ssyncset.done $0x0  }
0x280: {  	[sflag:s23] =	ssyncadd.s32 $0xFFFFF800  }
0x281: {  	_ =	sfence.sel $0x180000  }
0x282: {  	[bflag:$0x0] =	sbarrier.arrive $0xFFFF  }
0x283: {  	p0 =	sne.s32 s2, $0x0;
	_ =	strace $0x90000047  }
0x284: {  	s0 =	sadd.s32 @!p0 $0x100000, s0;
	[bflag:$0x2] =	sbarrier.arrive $0xFFFF  }
0x285: {  	[sflag:s0] =	ssyncadd.tile.s32 @!p0 $0x1;
	_ =	shalt  }
.Lfunc_end2:
_tile_overlayer_lowered:
.L_overlay_start_2:
0x286: {  	(tag) =	ssettag $0x2  }
0x287: {  	s0 =	rddreg [dreg:$0x0];
	s2 =	stileid.u32  }
0x288: {  	s1 =	rddreg [dreg:$0x1];
	p0 =	sne.s32 s2, $0x0  }
0x289: {  	s3 =	rddreg [dreg:$0x2];
	[bflag:$0x3] =	sbarrier.arrive $0xFFFF;
	s2 =	simm.s32 @!p0 $0x1C02  }
0x28a: {  	[timem:s3], [sflag:s2] =	dma.local @!p0 [hbm:s0], s1  }
0x28b: {  	s0 =	simm.s32 @!p0 $0x2  }
0x28c: {  	_ =	swait.ge @!p0 [sflag:s0], s1  }
0x28d: {  	s1 =	ssub.s32 @!p0 $0x0, s1;
	[sflag:s0] =	ssyncset.done @!p0 $0x0  }
0x28e: {  	[sflag:s0] =	ssyncadd.s32 @!p0 s1  }
0x28f: {  	[bflag:$0x3] =	sbarrier.arrive $0xFFFF  }
0x290: {  	_ =	shalt  }

</sc_bundles>
